<compile_context>
chip_gen: v7x
topology: tpu7x:2x2x1
jax: 0.10.2.dev20260603
libtpu: 0.0.44.dev20260713+nightly
codegen_flags: <defaults>
</compile_context>

<pallas_src>
import functools

import jax
import jax.numpy as jnp
from jax import lax
from jax.experimental import pallas as pl
from jax.experimental.pallas import tpu as pltpu
from jax.experimental.pallas import tpu_sc as plsc


def kernel(h, edge_index):
    n_nodes, d = h.shape
    n_edges = edge_index.shape[1]

    info = plsc.get_sparse_core_info()
    nc, ns, L = info.num_cores, info.num_subcores, info.num_lanes
    nw = nc * ns

    assert n_edges % nw == 0
    epw = n_edges // nw
    C = 48
    NB = 3
    assert C % L == 0 and epw % 8 == 0 and C % 8 == 0
    n_chunks = (epw + C - 1) // C
    assert n_chunks >= NB

    src = edge_index[0]
    dst = edge_index[1]

    mesh = plsc.VectorSubcoreMesh(core_axis_name="c", subcore_axis_name="s")

    @functools.partial(
        pl.kernel,
        mesh=mesh,
        out_type=jax.ShapeDtypeStruct((n_edges,), jnp.float32),
        scratch_types=[
            pltpu.VMEM((NB, C), jnp.int32),
            pltpu.VMEM((NB, C), jnp.int32),
            pltpu.VMEM((NB, C, d), jnp.float32),
            pltpu.VMEM((NB, C, d), jnp.float32),
            pltpu.VMEM((epw,), jnp.float32),
            pltpu.VMEM_SHARED((n_nodes, d), jnp.float32),
            pltpu.SemaphoreType.DMA,
            pltpu.SemaphoreType.DMA,
        ],
        compiler_params=pltpu.CompilerParams(needs_layout_passes=False),
    )
    def ker(h_hbm, src_hbm, dst_hbm, out_hbm, idw_s, idw_d, rows_s, rows_d,
            out_v, h_sh, semr, semi):
        wid = lax.axis_index("s") * nc + lax.axis_index("c")
        sid = lax.axis_index("s")
        base = wid * epw

        lane = lax.iota(jnp.int32, L)
        last_lane = lane == (L - 1)

        rpt = (n_nodes // ns) & ~7
        tail = n_nodes - (ns - 1) * rpt

        @pl.when(sid < ns - 1)
        def _():
            pltpu.sync_copy(h_hbm.at[pl.ds(sid * rpt, rpt)],
                            h_sh.at[pl.ds(sid * rpt, rpt)])

        @pl.when(sid == ns - 1)
        def _():
            pltpu.sync_copy(h_hbm.at[pl.ds((ns - 1) * rpt, tail)],
                            h_sh.at[pl.ds((ns - 1) * rpt, tail)])

        plsc.subcore_barrier()

        def off(i):
            return pl.multiple_of(base + jnp.minimum(i * C, epw - C), 8)

        def start_ids(i, b):
            pltpu.async_copy(src_hbm.at[pl.ds(off(i), C)], idw_s.at[b], semi)
            pltpu.async_copy(dst_hbm.at[pl.ds(off(i), C)], idw_d.at[b], semi)

        def wait_ids(b):
            pltpu.make_async_copy(src_hbm.at[pl.ds(base, C)],
                                  idw_s.at[b], semi).wait()
            pltpu.make_async_copy(dst_hbm.at[pl.ds(base, C)],
                                  idw_d.at[b], semi).wait()

        def start_gather(b):
            pltpu.async_copy(h_sh.at[idw_s.at[b]], rows_s.at[b], semr)
            pltpu.async_copy(h_sh.at[idw_d.at[b]], rows_d.at[b], semr)

        def wait_gather(b):
            pltpu.make_async_copy(h_sh.at[idw_s.at[b]],
                                  rows_s.at[b], semr).wait()
            pltpu.make_async_copy(h_sh.at[idw_d.at[b]],
                                  rows_d.at[b], semr).wait()

        def compute(i, b):
            chunk0 = jnp.minimum(i * C, epw - C)

            @plsc.parallel_loop(0, C, unroll=2)
            def edge_body(e):
                vals = [rows_s[b, e, pl.ds(k * L, L)]
                        * rows_d[b, e, pl.ds(k * L, L)]
                        for k in range(d // L)]
                while len(vals) > 1:
                    vals = [vals[j] + vals[j + 1]
                            for j in range(0, len(vals), 2)]
                c = plsc.cumsum(vals[0])
                ev = jnp.full((L,), chunk0 + e, dtype=jnp.int32)
                plsc.store_scatter(out_v, [ev], c, mask=last_lane)

            @plsc.parallel_loop(0, C // L)
            def sig_body(g):
                sl = pl.ds(chunk0 + g * L, L)
                x = out_v[sl]
                out_v[sl] = 1.0 / (1.0 + jnp.exp(-x))

        start_ids(0, 0)
        start_ids(1, 1)
        start_ids(2, 2)
        wait_ids(0)
        start_gather(0)
        wait_ids(1)
        start_gather(1)

        def chunk_body(i, carry):
            b = lax.rem(i, NB)
            b2 = lax.rem(i + 2, NB)
            wait_ids(b2)
            start_gather(b2)
            wait_gather(b)
            start_ids(i + NB, b)
            compute(i, b)
            return carry

        lax.fori_loop(0, n_chunks, chunk_body, 0)

        wait_gather(n_chunks % NB)
        wait_gather((n_chunks + 1) % NB)
        wait_ids(n_chunks % NB)

        pltpu.sync_copy(out_v, out_hbm.at[pl.ds(base, epw)])

    return ker(h, src, dst)

# --- scband reference (transcript-rebuilt; emitter-appended) ---
"""Pipeline reference for scband-dot-product-decoder-11940009083291 (READ-ONLY COPY).

The authoritative reference and input builder live on the scoring server;
editing this copy changes nothing except your own understanding.
"""

import jax, jax.numpy as jnp
import numpy as np

N_NODES = 10000
D_FEAT = 128
N_EDGES = 320000

def setup_inputs(seed: int = 0) -> dict:
    key = jax.random.key(seed)
    k1, k2 = jax.random.split(key)
    h = jax.random.normal(k1, (N_NODES, D_FEAT), dtype=jnp.float32)
    edge_index = jax.random.randint(k2, (2, N_EDGES), 0, N_NODES, dtype=jnp.int64 if jax.config.jax_enable_x64 else jnp.int32).astype(jnp.int32)
    return {"h": h, "edge_index": edge_index}

def reference(h, edge_index):
    # Gather source and destination node embeddings (SparseCore-friendly gathers)
    h_src = jnp.take(h, edge_index[0], axis=0)
    h_dst = jnp.take(h, edge_index[1], axis=0)
    edge_scores = jax.nn.sigmoid(jnp.sum(h_src * h_dst, axis=-1))
    return edge_scores

if __name__ == "__main__":
    import jax
    _d = setup_inputs()
    print(jax.jit(kernel)(*tuple(_d.values())))

</pallas_src>

<mosaic_0001>
#map = affine_map<(d0, d1) -> (0, 0)>
#map1 = affine_map<(d0, d1) -> (0)>
module attributes {stable_mosaic.version = 14 : i64} {
  func.func @ker(%arg0: i32, %arg1: i32, %arg2: memref<10000x128xf32, #tpu.memory_space<hbm>>, %arg3: memref<320000xi32, #tpu.memory_space<hbm>>, %arg4: memref<320000xi32, #tpu.memory_space<hbm>>, %arg5: memref<320000xf32, #tpu.memory_space<hbm>>, %arg6: memref<3x48xi32, #tpu.memory_space<vmem>>, %arg7: memref<3x48xi32, #tpu.memory_space<vmem>>, %arg8: memref<3x48x128xf32, #tpu.memory_space<vmem>>, %arg9: memref<3x48x128xf32, #tpu.memory_space<vmem>>, %arg10: memref<10000xf32, #tpu.memory_space<vmem>>, %arg11: memref<10000x128xf32, #tpu.memory_space<vmem_shared>>, %arg12: memref<!tpu.dma_semaphore, #tpu.memory_space<semaphore_mem>>, %arg13: memref<!tpu.dma_semaphore, #tpu.memory_space<semaphore_mem>>) attributes {dimension_semantics = [#tpu.dimension_semantics<core_parallel>, #tpu.dimension_semantics<subcore_parallel>], iteration_bounds = array<i64: 2, 16>, scalar_prefetch = 0 : i64, scratch_operands = 8 : i64, tpu.core_type = #tpu.core_type<sc_vector_subcore>, window_params = [{transform_indices = #map}, {transform_indices = #map1}, {transform_indices = #map1}, {transform_indices = #map1}]} {
    %mul3A = arith.constant 2 : i32
    %mul3A_0 = arith.muli %arg1, %mul3A : i32
    %add3A = arith.addi %mul3A_0, %arg0 : i32
    %mul3A_1 = arith.constant 10000 : i32
    %mul3A_2 = arith.muli %add3A, %mul3A_1 : i32
    %iota3A = tpu.iota {dimensions = array<i32: 0>} : vector<16xi32>
    %eq3A = arith.constant 15 : i32
    %eq3A_3 = vector.broadcast %eq3A : i32 to vector<16xi32>
    %eq3A_4 = arith.cmpi eq, %iota3A, %eq3A_3 : vector<16xi32>
    %lt3A = arith.constant 15 : i32
    %lt3A_5 = arith.cmpi slt, %arg1, %lt3A : i32
    %convert_element_type3A = arith.extui %lt3A_5 : i1 to i32
    %cond3A = arith.constant 0 : i32
    %cond3A_6 = arith.cmpi ne, %convert_element_type3A, %cond3A : i32
    scf.if %cond3A_6 {
      %mul3A_247 = arith.constant 624 : i32
      %mul3A_248 = arith.muli %arg1, %mul3A_247 : i32
      %mul3A_249 = arith.constant 624 : i32
      %mul3A_250 = arith.muli %arg1, %mul3A_249 : i32
      "tpu.region"() ({
        %run_scoped3A = tpu.sem_alloc : memref<!tpu.dma_semaphore, #tpu.memory_space<semaphore_mem>>
        %dma_start3A_251 = arith.constant 0 : i32
        %dma_start3A_252 = tpu.memref_slice %arg11[%mul3A_250, %dma_start3A_251] : memref<10000x128xf32, #tpu.memory_space<vmem_shared>> -> memref<624x128xf32, #tpu.memory_space<vmem_shared>>
        %dma_start3A_253 = arith.constant 0 : i32
        %dma_start3A_254 = tpu.memref_slice %arg2[%mul3A_248, %dma_start3A_253] : memref<10000x128xf32, #tpu.memory_space<hbm>> -> memref<624x128xf32, #tpu.memory_space<hbm>>
        tpu.enqueue_dma source(%dma_start3A_254 : memref<624x128xf32, #tpu.memory_space<hbm>>) target(%dma_start3A_252 : memref<624x128xf32, #tpu.memory_space<vmem_shared>>) target_semaphore(%run_scoped3A : memref<!tpu.dma_semaphore, #tpu.memory_space<semaphore_mem>>)
        %dma_wait3A_255 = arith.constant 0 : i32
        %dma_wait3A_256 = tpu.memref_slice %arg11[%mul3A_250, %dma_wait3A_255] : memref<10000x128xf32, #tpu.memory_space<vmem_shared>> -> memref<624x128xf32, #tpu.memory_space<vmem_shared>>
        %dma_wait3A_257 = arith.constant 0 : i32
        %dma_wait3A_258 = tpu.memref_slice %arg2[%mul3A_248, %dma_wait3A_257] : memref<10000x128xf32, #tpu.memory_space<hbm>> -> memref<624x128xf32, #tpu.memory_space<hbm>>
        tpu.wait_dma2 semaphore(%run_scoped3A : memref<!tpu.dma_semaphore, #tpu.memory_space<semaphore_mem>>) src(%dma_wait3A_258 : memref<624x128xf32, #tpu.memory_space<hbm>>) dst(%dma_wait3A_256 : memref<624x128xf32, #tpu.memory_space<vmem_shared>>)
        tpu.yield
      }) : () -> ()
    } else {
    }
    %eq3A_7 = arith.constant 15 : i32
    %eq3A_8 = arith.cmpi eq, %arg1, %eq3A_7 : i32
    %convert_element_type3A_9 = arith.extui %eq3A_8 : i1 to i32
    %cond3A_10 = arith.constant 0 : i32
    %cond3A_11 = arith.cmpi ne, %convert_element_type3A_9, %cond3A_10 : i32
    scf.if %cond3A_11 {
      "tpu.region"() ({
        %run_scoped3A = tpu.sem_alloc : memref<!tpu.dma_semaphore, #tpu.memory_space<semaphore_mem>>
        %dma_start3A_247 = arith.constant 9360 : i32
        %dma_start3A_248 = arith.constant 0 : i32
        %dma_start3A_249 = tpu.memref_slice %arg11[%dma_start3A_247, %dma_start3A_248] : memref<10000x128xf32, #tpu.memory_space<vmem_shared>> -> memref<640x128xf32, #tpu.memory_space<vmem_shared>>
        %dma_start3A_250 = arith.constant 9360 : i32
        %dma_start3A_251 = arith.constant 0 : i32
        %dma_start3A_252 = tpu.memref_slice %arg2[%dma_start3A_250, %dma_start3A_251] : memref<10000x128xf32, #tpu.memory_space<hbm>> -> memref<640x128xf32, #tpu.memory_space<hbm>>
        tpu.enqueue_dma source(%dma_start3A_252 : memref<640x128xf32, #tpu.memory_space<hbm>>) target(%dma_start3A_249 : memref<640x128xf32, #tpu.memory_space<vmem_shared>>) target_semaphore(%run_scoped3A : memref<!tpu.dma_semaphore, #tpu.memory_space<semaphore_mem>>)
        %dma_wait3A_253 = arith.constant 9360 : i32
        %dma_wait3A_254 = arith.constant 0 : i32
        %dma_wait3A_255 = tpu.memref_slice %arg11[%dma_wait3A_253, %dma_wait3A_254] : memref<10000x128xf32, #tpu.memory_space<vmem_shared>> -> memref<640x128xf32, #tpu.memory_space<vmem_shared>>
        %dma_wait3A_256 = arith.constant 9360 : i32
        %dma_wait3A_257 = arith.constant 0 : i32
        %dma_wait3A_258 = tpu.memref_slice %arg2[%dma_wait3A_256, %dma_wait3A_257] : memref<10000x128xf32, #tpu.memory_space<hbm>> -> memref<640x128xf32, #tpu.memory_space<hbm>>
        tpu.wait_dma2 semaphore(%run_scoped3A : memref<!tpu.dma_semaphore, #tpu.memory_space<semaphore_mem>>) src(%dma_wait3A_258 : memref<640x128xf32, #tpu.memory_space<hbm>>) dst(%dma_wait3A_255 : memref<640x128xf32, #tpu.memory_space<vmem_shared>>)
        tpu.yield
      }) : () -> ()
    } else {
    }
    %barrier3A = arith.constant 0 : index
    tpu.barrier barrier_id(%barrier3A)
    %min3A = arith.constant 0 : i32
    %min3A_12 = arith.constant 9952 : i32
    %min3A_13 = arith.minsi %min3A, %min3A_12 : i32
    %add3A_14 = arith.addi %mul3A_2, %min3A_13 : i32
    %multiple_of3A = tpu.assume_multiple %add3A_14, 8 : i32
    %dma_start3A = arith.constant 0 : i32
    %dma_start3A_15 = arith.constant 0 : i32
    %dma_start3A_16 = tpu.memref_slice %arg6[%dma_start3A, %dma_start3A_15] : memref<3x48xi32, #tpu.memory_space<vmem>> -> memref<1x48xi32, #tpu.memory_space<vmem>>
    %dma_start3A_17 = tpu.memref_squeeze %dma_start3A_16 : memref<1x48xi32, #tpu.memory_space<vmem>> -> memref<48xi32, #tpu.memory_space<vmem>>
    %dma_start3A_18 = tpu.memref_slice %arg3[%multiple_of3A] : memref<320000xi32, #tpu.memory_space<hbm>> -> memref<48xi32, #tpu.memory_space<hbm>>
    %dma_start3A_19 = arith.constant 0 : i32
    %dma_start3A_20 = tpu.memref_slice %arg6[%dma_start3A, %dma_start3A_19] : memref<3x48xi32, #tpu.memory_space<vmem>> -> memref<1x48xi32, #tpu.memory_space<vmem>>
    %dma_start3A_21 = tpu.memref_squeeze %dma_start3A_20 : memref<1x48xi32, #tpu.memory_space<vmem>> -> memref<48xi32, #tpu.memory_space<vmem>>
    %dma_start3A_22 = tpu.memref_slice %arg3[%multiple_of3A] : memref<320000xi32, #tpu.memory_space<hbm>> -> memref<48xi32, #tpu.memory_space<hbm>>
    tpu.enqueue_dma source(%dma_start3A_22 : memref<48xi32, #tpu.memory_space<hbm>>) target(%dma_start3A_21 : memref<48xi32, #tpu.memory_space<vmem>>) target_semaphore(%arg13 : memref<!tpu.dma_semaphore, #tpu.memory_space<semaphore_mem>>)
    %min3A_23 = arith.constant 0 : i32
    %min3A_24 = arith.constant 9952 : i32
    %min3A_25 = arith.minsi %min3A_23, %min3A_24 : i32
    %add3A_26 = arith.addi %mul3A_2, %min3A_25 : i32
    %multiple_of3A_27 = tpu.assume_multiple %add3A_26, 8 : i32
    %dma_start3A_28 = arith.constant 0 : i32
    %dma_start3A_29 = arith.constant 0 : i32
    %dma_start3A_30 = tpu.memref_slice %arg7[%dma_start3A_28, %dma_start3A_29] : memref<3x48xi32, #tpu.memory_space<vmem>> -> memref<1x48xi32, #tpu.memory_space<vmem>>
    %dma_start3A_31 = tpu.memref_squeeze %dma_start3A_30 : memref<1x48xi32, #tpu.memory_space<vmem>> -> memref<48xi32, #tpu.memory_space<vmem>>
    %dma_start3A_32 = tpu.memref_slice %arg4[%multiple_of3A_27] : memref<320000xi32, #tpu.memory_space<hbm>> -> memref<48xi32, #tpu.memory_space<hbm>>
    %dma_start3A_33 = arith.constant 0 : i32
    %dma_start3A_34 = tpu.memref_slice %arg7[%dma_start3A_28, %dma_start3A_33] : memref<3x48xi32, #tpu.memory_space<vmem>> -> memref<1x48xi32, #tpu.memory_space<vmem>>
    %dma_start3A_35 = tpu.memref_squeeze %dma_start3A_34 : memref<1x48xi32, #tpu.memory_space<vmem>> -> memref<48xi32, #tpu.memory_space<vmem>>
    %dma_start3A_36 = tpu.memref_slice %arg4[%multiple_of3A_27] : memref<320000xi32, #tpu.memory_space<hbm>> -> memref<48xi32, #tpu.memory_space<hbm>>
    tpu.enqueue_dma source(%dma_start3A_36 : memref<48xi32, #tpu.memory_space<hbm>>) target(%dma_start3A_35 : memref<48xi32, #tpu.memory_space<vmem>>) target_semaphore(%arg13 : memref<!tpu.dma_semaphore, #tpu.memory_space<semaphore_mem>>)
    %min3A_37 = arith.constant 48 : i32
    %min3A_38 = arith.constant 9952 : i32
    %min3A_39 = arith.minsi %min3A_37, %min3A_38 : i32
    %add3A_40 = arith.addi %mul3A_2, %min3A_39 : i32
    %multiple_of3A_41 = tpu.assume_multiple %add3A_40, 8 : i32
    %dma_start3A_42 = arith.constant 1 : i32
    %dma_start3A_43 = arith.constant 0 : i32
    %dma_start3A_44 = tpu.memref_slice %arg6[%dma_start3A_42, %dma_start3A_43] : memref<3x48xi32, #tpu.memory_space<vmem>> -> memref<1x48xi32, #tpu.memory_space<vmem>>
    %dma_start3A_45 = tpu.memref_squeeze %dma_start3A_44 : memref<1x48xi32, #tpu.memory_space<vmem>> -> memref<48xi32, #tpu.memory_space<vmem>>
    %dma_start3A_46 = tpu.memref_slice %arg3[%multiple_of3A_41] : memref<320000xi32, #tpu.memory_space<hbm>> -> memref<48xi32, #tpu.memory_space<hbm>>
    %dma_start3A_47 = arith.constant 0 : i32
    %dma_start3A_48 = tpu.memref_slice %arg6[%dma_start3A_42, %dma_start3A_47] : memref<3x48xi32, #tpu.memory_space<vmem>> -> memref<1x48xi32, #tpu.memory_space<vmem>>
    %dma_start3A_49 = tpu.memref_squeeze %dma_start3A_48 : memref<1x48xi32, #tpu.memory_space<vmem>> -> memref<48xi32, #tpu.memory_space<vmem>>
    %dma_start3A_50 = tpu.memref_slice %arg3[%multiple_of3A_41] : memref<320000xi32, #tpu.memory_space<hbm>> -> memref<48xi32, #tpu.memory_space<hbm>>
    tpu.enqueue_dma source(%dma_start3A_50 : memref<48xi32, #tpu.memory_space<hbm>>) target(%dma_start3A_49 : memref<48xi32, #tpu.memory_space<vmem>>) target_semaphore(%arg13 : memref<!tpu.dma_semaphore, #tpu.memory_space<semaphore_mem>>)
    %min3A_51 = arith.constant 48 : i32
    %min3A_52 = arith.constant 9952 : i32
    %min3A_53 = arith.minsi %min3A_51, %min3A_52 : i32
    %add3A_54 = arith.addi %mul3A_2, %min3A_53 : i32
    %multiple_of3A_55 = tpu.assume_multiple %add3A_54, 8 : i32
    %dma_start3A_56 = arith.constant 1 : i32
    %dma_start3A_57 = arith.constant 0 : i32
    %dma_start3A_58 = tpu.memref_slice %arg7[%dma_start3A_56, %dma_start3A_57] : memref<3x48xi32, #tpu.memory_space<vmem>> -> memref<1x48xi32, #tpu.memory_space<vmem>>
    %dma_start3A_59 = tpu.memref_squeeze %dma_start3A_58 : memref<1x48xi32, #tpu.memory_space<vmem>> -> memref<48xi32, #tpu.memory_space<vmem>>
    %dma_start3A_60 = tpu.memref_slice %arg4[%multiple_of3A_55] : memref<320000xi32, #tpu.memory_space<hbm>> -> memref<48xi32, #tpu.memory_space<hbm>>
    %dma_start3A_61 = arith.constant 0 : i32
    %dma_start3A_62 = tpu.memref_slice %arg7[%dma_start3A_56, %dma_start3A_61] : memref<3x48xi32, #tpu.memory_space<vmem>> -> memref<1x48xi32, #tpu.memory_space<vmem>>
    %dma_start3A_63 = tpu.memref_squeeze %dma_start3A_62 : memref<1x48xi32, #tpu.memory_space<vmem>> -> memref<48xi32, #tpu.memory_space<vmem>>
    %dma_start3A_64 = tpu.memref_slice %arg4[%multiple_of3A_55] : memref<320000xi32, #tpu.memory_space<hbm>> -> memref<48xi32, #tpu.memory_space<hbm>>
    tpu.enqueue_dma source(%dma_start3A_64 : memref<48xi32, #tpu.memory_space<hbm>>) target(%dma_start3A_63 : memref<48xi32, #tpu.memory_space<vmem>>) target_semaphore(%arg13 : memref<!tpu.dma_semaphore, #tpu.memory_space<semaphore_mem>>)
    %min3A_65 = arith.constant 96 : i32
    %min3A_66 = arith.constant 9952 : i32
    %min3A_67 = arith.minsi %min3A_65, %min3A_66 : i32
    %add3A_68 = arith.addi %mul3A_2, %min3A_67 : i32
    %multiple_of3A_69 = tpu.assume_multiple %add3A_68, 8 : i32
    %dma_start3A_70 = arith.constant 2 : i32
    %dma_start3A_71 = arith.constant 0 : i32
    %dma_start3A_72 = tpu.memref_slice %arg6[%dma_start3A_70, %dma_start3A_71] : memref<3x48xi32, #tpu.memory_space<vmem>> -> memref<1x48xi32, #tpu.memory_space<vmem>>
    %dma_start3A_73 = tpu.memref_squeeze %dma_start3A_72 : memref<1x48xi32, #tpu.memory_space<vmem>> -> memref<48xi32, #tpu.memory_space<vmem>>
    %dma_start3A_74 = tpu.memref_slice %arg3[%multiple_of3A_69] : memref<320000xi32, #tpu.memory_space<hbm>> -> memref<48xi32, #tpu.memory_space<hbm>>
    %dma_start3A_75 = arith.constant 0 : i32
    %dma_start3A_76 = tpu.memref_slice %arg6[%dma_start3A_70, %dma_start3A_75] : memref<3x48xi32, #tpu.memory_space<vmem>> -> memref<1x48xi32, #tpu.memory_space<vmem>>
    %dma_start3A_77 = tpu.memref_squeeze %dma_start3A_76 : memref<1x48xi32, #tpu.memory_space<vmem>> -> memref<48xi32, #tpu.memory_space<vmem>>
    %dma_start3A_78 = tpu.memref_slice %arg3[%multiple_of3A_69] : memref<320000xi32, #tpu.memory_space<hbm>> -> memref<48xi32, #tpu.memory_space<hbm>>
    tpu.enqueue_dma source(%dma_start3A_78 : memref<48xi32, #tpu.memory_space<hbm>>) target(%dma_start3A_77 : memref<48xi32, #tpu.memory_space<vmem>>) target_semaphore(%arg13 : memref<!tpu.dma_semaphore, #tpu.memory_space<semaphore_mem>>)
    %min3A_79 = arith.constant 96 : i32
    %min3A_80 = arith.constant 9952 : i32
    %min3A_81 = arith.minsi %min3A_79, %min3A_80 : i32
    %add3A_82 = arith.addi %mul3A_2, %min3A_81 : i32
    %multiple_of3A_83 = tpu.assume_multiple %add3A_82, 8 : i32
    %dma_start3A_84 = arith.constant 2 : i32
    %dma_start3A_85 = arith.constant 0 : i32
    %dma_start3A_86 = tpu.memref_slice %arg7[%dma_start3A_84, %dma_start3A_85] : memref<3x48xi32, #tpu.memory_space<vmem>> -> memref<1x48xi32, #tpu.memory_space<vmem>>
    %dma_start3A_87 = tpu.memref_squeeze %dma_start3A_86 : memref<1x48xi32, #tpu.memory_space<vmem>> -> memref<48xi32, #tpu.memory_space<vmem>>
    %dma_start3A_88 = tpu.memref_slice %arg4[%multiple_of3A_83] : memref<320000xi32, #tpu.memory_space<hbm>> -> memref<48xi32, #tpu.memory_space<hbm>>
    %dma_start3A_89 = arith.constant 0 : i32
    %dma_start3A_90 = tpu.memref_slice %arg7[%dma_start3A_84, %dma_start3A_89] : memref<3x48xi32, #tpu.memory_space<vmem>> -> memref<1x48xi32, #tpu.memory_space<vmem>>
    %dma_start3A_91 = tpu.memref_squeeze %dma_start3A_90 : memref<1x48xi32, #tpu.memory_space<vmem>> -> memref<48xi32, #tpu.memory_space<vmem>>
    %dma_start3A_92 = tpu.memref_slice %arg4[%multiple_of3A_83] : memref<320000xi32, #tpu.memory_space<hbm>> -> memref<48xi32, #tpu.memory_space<hbm>>
    tpu.enqueue_dma source(%dma_start3A_92 : memref<48xi32, #tpu.memory_space<hbm>>) target(%dma_start3A_91 : memref<48xi32, #tpu.memory_space<vmem>>) target_semaphore(%arg13 : memref<!tpu.dma_semaphore, #tpu.memory_space<semaphore_mem>>)
    %dma_wait3A = arith.constant 0 : i32
    %dma_wait3A_93 = arith.constant 0 : i32
    %dma_wait3A_94 = tpu.memref_slice %arg6[%dma_wait3A, %dma_wait3A_93] : memref<3x48xi32, #tpu.memory_space<vmem>> -> memref<1x48xi32, #tpu.memory_space<vmem>>
    %dma_wait3A_95 = tpu.memref_squeeze %dma_wait3A_94 : memref<1x48xi32, #tpu.memory_space<vmem>> -> memref<48xi32, #tpu.memory_space<vmem>>
    %dma_wait3A_96 = tpu.memref_slice %arg3[%mul3A_2] : memref<320000xi32, #tpu.memory_space<hbm>> -> memref<48xi32, #tpu.memory_space<hbm>>
    %dma_wait3A_97 = arith.constant 0 : i32
    %dma_wait3A_98 = tpu.memref_slice %arg6[%dma_wait3A, %dma_wait3A_97] : memref<3x48xi32, #tpu.memory_space<vmem>> -> memref<1x48xi32, #tpu.memory_space<vmem>>
    %dma_wait3A_99 = tpu.memref_squeeze %dma_wait3A_98 : memref<1x48xi32, #tpu.memory_space<vmem>> -> memref<48xi32, #tpu.memory_space<vmem>>
    %dma_wait3A_100 = tpu.memref_slice %arg3[%mul3A_2] : memref<320000xi32, #tpu.memory_space<hbm>> -> memref<48xi32, #tpu.memory_space<hbm>>
    tpu.wait_dma2 semaphore(%arg13 : memref<!tpu.dma_semaphore, #tpu.memory_space<semaphore_mem>>) src(%dma_wait3A_100 : memref<48xi32, #tpu.memory_space<hbm>>) dst(%dma_wait3A_99 : memref<48xi32, #tpu.memory_space<vmem>>)
    %dma_wait3A_101 = arith.constant 0 : i32
    %dma_wait3A_102 = arith.constant 0 : i32
    %dma_wait3A_103 = tpu.memref_slice %arg7[%dma_wait3A_101, %dma_wait3A_102] : memref<3x48xi32, #tpu.memory_space<vmem>> -> memref<1x48xi32, #tpu.memory_space<vmem>>
    %dma_wait3A_104 = tpu.memref_squeeze %dma_wait3A_103 : memref<1x48xi32, #tpu.memory_space<vmem>> -> memref<48xi32, #tpu.memory_space<vmem>>
    %dma_wait3A_105 = tpu.memref_slice %arg4[%mul3A_2] : memref<320000xi32, #tpu.memory_space<hbm>> -> memref<48xi32, #tpu.memory_space<hbm>>
    %dma_wait3A_106 = arith.constant 0 : i32
    %dma_wait3A_107 = tpu.memref_slice %arg7[%dma_wait3A_101, %dma_wait3A_106] : memref<3x48xi32, #tpu.memory_space<vmem>> -> memref<1x48xi32, #tpu.memory_space<vmem>>
    %dma_wait3A_108 = tpu.memref_squeeze %dma_wait3A_107 : memref<1x48xi32, #tpu.memory_space<vmem>> -> memref<48xi32, #tpu.memory_space<vmem>>
    %dma_wait3A_109 = tpu.memref_slice %arg4[%mul3A_2] : memref<320000xi32, #tpu.memory_space<hbm>> -> memref<48xi32, #tpu.memory_space<hbm>>
    tpu.wait_dma2 semaphore(%arg13 : memref<!tpu.dma_semaphore, #tpu.memory_space<semaphore_mem>>) src(%dma_wait3A_109 : memref<48xi32, #tpu.memory_space<hbm>>) dst(%dma_wait3A_108 : memref<48xi32, #tpu.memory_space<vmem>>)
    %dma_start3A_110 = arith.constant 0 : i32
    %dma_start3A_111 = arith.constant 0 : i32
    %dma_start3A_112 = arith.constant 0 : i32
    %dma_start3A_113 = arith.constant 0 : i32
    %dma_start3A_114 = tpu.memref_slice %arg8[%dma_start3A_111, %dma_start3A_112, %dma_start3A_113] : memref<3x48x128xf32, #tpu.memory_space<vmem>> -> memref<1x48x128xf32, #tpu.memory_space<vmem>>
    %dma_start3A_115 = tpu.memref_squeeze %dma_start3A_114 : memref<1x48x128xf32, #tpu.memory_space<vmem>> -> memref<48x128xf32, #tpu.memory_space<vmem>>
    %dma_start3A_116 = arith.constant 0 : i32
    %dma_start3A_117 = tpu.memref_slice %arg6[%dma_start3A_110, %dma_start3A_116] : memref<3x48xi32, #tpu.memory_space<vmem>> -> memref<1x48xi32, #tpu.memory_space<vmem>>
    %dma_start3A_118 = tpu.memref_squeeze %dma_start3A_117 : memref<1x48xi32, #tpu.memory_space<vmem>> -> memref<48xi32, #tpu.memory_space<vmem>>
    %dma_start3A_119 = arith.constant 0 : i32
    %dma_start3A_120 = arith.constant 0 : i32
    %dma_start3A_121 = tpu.memref_slice %arg11[%dma_start3A_119, %dma_start3A_120] : memref<10000x128xf32, #tpu.memory_space<vmem_shared>> -> memref<10000x128xf32, #tpu.memory_space<vmem_shared>>
    tpu.enqueue_indirect_dma source(%dma_start3A_121 : memref<10000x128xf32, #tpu.memory_space<vmem_shared>>) target(%dma_start3A_115 : memref<48x128xf32, #tpu.memory_space<vmem>>) offsets(%dma_start3A_118 : memref<48xi32, #tpu.memory_space<vmem>>) semaphore(%arg12 : memref<!tpu.dma_semaphore, #tpu.memory_space<semaphore_mem>>)
    %dma_start3A_122 = arith.constant 0 : i32
    %dma_start3A_123 = arith.constant 0 : i32
    %dma_start3A_124 = arith.constant 0 : i32
    %dma_start3A_125 = arith.constant 0 : i32
    %dma_start3A_126 = tpu.memref_slice %arg9[%dma_start3A_123, %dma_start3A_124, %dma_start3A_125] : memref<3x48x128xf32, #tpu.memory_space<vmem>> -> memref<1x48x128xf32, #tpu.memory_space<vmem>>
    %dma_start3A_127 = tpu.memref_squeeze %dma_start3A_126 : memref<1x48x128xf32, #tpu.memory_space<vmem>> -> memref<48x128xf32, #tpu.memory_space<vmem>>
    %dma_start3A_128 = arith.constant 0 : i32
    %dma_start3A_129 = tpu.memref_slice %arg7[%dma_start3A_122, %dma_start3A_128] : memref<3x48xi32, #tpu.memory_space<vmem>> -> memref<1x48xi32, #tpu.memory_space<vmem>>
    %dma_start3A_130 = tpu.memref_squeeze %dma_start3A_129 : memref<1x48xi32, #tpu.memory_space<vmem>> -> memref<48xi32, #tpu.memory_space<vmem>>
    %dma_start3A_131 = arith.constant 0 : i32
    %dma_start3A_132 = arith.constant 0 : i32
    %dma_start3A_133 = tpu.memref_slice %arg11[%dma_start3A_131, %dma_start3A_132] : memref<10000x128xf32, #tpu.memory_space<vmem_shared>> -> memref<10000x128xf32, #tpu.memory_space<vmem_shared>>
    tpu.enqueue_indirect_dma source(%dma_start3A_133 : memref<10000x128xf32, #tpu.memory_space<vmem_shared>>) target(%dma_start3A_127 : memref<48x128xf32, #tpu.memory_space<vmem>>) offsets(%dma_start3A_130 : memref<48xi32, #tpu.memory_space<vmem>>) semaphore(%arg12 : memref<!tpu.dma_semaphore, #tpu.memory_space<semaphore_mem>>)
    %dma_wait3A_134 = arith.constant 1 : i32
    %dma_wait3A_135 = arith.constant 0 : i32
    %dma_wait3A_136 = tpu.memref_slice %arg6[%dma_wait3A_134, %dma_wait3A_135] : memref<3x48xi32, #tpu.memory_space<vmem>> -> memref<1x48xi32, #tpu.memory_space<vmem>>
    %dma_wait3A_137 = tpu.memref_squeeze %dma_wait3A_136 : memref<1x48xi32, #tpu.memory_space<vmem>> -> memref<48xi32, #tpu.memory_space<vmem>>
    %dma_wait3A_138 = tpu.memref_slice %arg3[%mul3A_2] : memref<320000xi32, #tpu.memory_space<hbm>> -> memref<48xi32, #tpu.memory_space<hbm>>
    %dma_wait3A_139 = arith.constant 0 : i32
    %dma_wait3A_140 = tpu.memref_slice %arg6[%dma_wait3A_134, %dma_wait3A_139] : memref<3x48xi32, #tpu.memory_space<vmem>> -> memref<1x48xi32, #tpu.memory_space<vmem>>
    %dma_wait3A_141 = tpu.memref_squeeze %dma_wait3A_140 : memref<1x48xi32, #tpu.memory_space<vmem>> -> memref<48xi32, #tpu.memory_space<vmem>>
    %dma_wait3A_142 = tpu.memref_slice %arg3[%mul3A_2] : memref<320000xi32, #tpu.memory_space<hbm>> -> memref<48xi32, #tpu.memory_space<hbm>>
    tpu.wait_dma2 semaphore(%arg13 : memref<!tpu.dma_semaphore, #tpu.memory_space<semaphore_mem>>) src(%dma_wait3A_142 : memref<48xi32, #tpu.memory_space<hbm>>) dst(%dma_wait3A_141 : memref<48xi32, #tpu.memory_space<vmem>>)
    %dma_wait3A_143 = arith.constant 1 : i32
    %dma_wait3A_144 = arith.constant 0 : i32
    %dma_wait3A_145 = tpu.memref_slice %arg7[%dma_wait3A_143, %dma_wait3A_144] : memref<3x48xi32, #tpu.memory_space<vmem>> -> memref<1x48xi32, #tpu.memory_space<vmem>>
    %dma_wait3A_146 = tpu.memref_squeeze %dma_wait3A_145 : memref<1x48xi32, #tpu.memory_space<vmem>> -> memref<48xi32, #tpu.memory_space<vmem>>
    %dma_wait3A_147 = tpu.memref_slice %arg4[%mul3A_2] : memref<320000xi32, #tpu.memory_space<hbm>> -> memref<48xi32, #tpu.memory_space<hbm>>
    %dma_wait3A_148 = arith.constant 0 : i32
    %dma_wait3A_149 = tpu.memref_slice %arg7[%dma_wait3A_143, %dma_wait3A_148] : memref<3x48xi32, #tpu.memory_space<vmem>> -> memref<1x48xi32, #tpu.memory_space<vmem>>
    %dma_wait3A_150 = tpu.memref_squeeze %dma_wait3A_149 : memref<1x48xi32, #tpu.memory_space<vmem>> -> memref<48xi32, #tpu.memory_space<vmem>>
    %dma_wait3A_151 = tpu.memref_slice %arg4[%mul3A_2] : memref<320000xi32, #tpu.memory_space<hbm>> -> memref<48xi32, #tpu.memory_space<hbm>>
    tpu.wait_dma2 semaphore(%arg13 : memref<!tpu.dma_semaphore, #tpu.memory_space<semaphore_mem>>) src(%dma_wait3A_151 : memref<48xi32, #tpu.memory_space<hbm>>) dst(%dma_wait3A_150 : memref<48xi32, #tpu.memory_space<vmem>>)
    %dma_start3A_152 = arith.constant 1 : i32
    %dma_start3A_153 = arith.constant 1 : i32
    %dma_start3A_154 = arith.constant 0 : i32
    %dma_start3A_155 = arith.constant 0 : i32
    %dma_start3A_156 = tpu.memref_slice %arg8[%dma_start3A_153, %dma_start3A_154, %dma_start3A_155] : memref<3x48x128xf32, #tpu.memory_space<vmem>> -> memref<1x48x128xf32, #tpu.memory_space<vmem>>
    %dma_start3A_157 = tpu.memref_squeeze %dma_start3A_156 : memref<1x48x128xf32, #tpu.memory_space<vmem>> -> memref<48x128xf32, #tpu.memory_space<vmem>>
    %dma_start3A_158 = arith.constant 0 : i32
    %dma_start3A_159 = tpu.memref_slice %arg6[%dma_start3A_152, %dma_start3A_158] : memref<3x48xi32, #tpu.memory_space<vmem>> -> memref<1x48xi32, #tpu.memory_space<vmem>>
    %dma_start3A_160 = tpu.memref_squeeze %dma_start3A_159 : memref<1x48xi32, #tpu.memory_space<vmem>> -> memref<48xi32, #tpu.memory_space<vmem>>
    %dma_start3A_161 = arith.constant 0 : i32
    %dma_start3A_162 = arith.constant 0 : i32
    %dma_start3A_163 = tpu.memref_slice %arg11[%dma_start3A_161, %dma_start3A_162] : memref<10000x128xf32, #tpu.memory_space<vmem_shared>> -> memref<10000x128xf32, #tpu.memory_space<vmem_shared>>
    tpu.enqueue_indirect_dma source(%dma_start3A_163 : memref<10000x128xf32, #tpu.memory_space<vmem_shared>>) target(%dma_start3A_157 : memref<48x128xf32, #tpu.memory_space<vmem>>) offsets(%dma_start3A_160 : memref<48xi32, #tpu.memory_space<vmem>>) semaphore(%arg12 : memref<!tpu.dma_semaphore, #tpu.memory_space<semaphore_mem>>)
    %dma_start3A_164 = arith.constant 1 : i32
    %dma_start3A_165 = arith.constant 1 : i32
    %dma_start3A_166 = arith.constant 0 : i32
    %dma_start3A_167 = arith.constant 0 : i32
    %dma_start3A_168 = tpu.memref_slice %arg9[%dma_start3A_165, %dma_start3A_166, %dma_start3A_167] : memref<3x48x128xf32, #tpu.memory_space<vmem>> -> memref<1x48x128xf32, #tpu.memory_space<vmem>>
    %dma_start3A_169 = tpu.memref_squeeze %dma_start3A_168 : memref<1x48x128xf32, #tpu.memory_space<vmem>> -> memref<48x128xf32, #tpu.memory_space<vmem>>
    %dma_start3A_170 = arith.constant 0 : i32
    %dma_start3A_171 = tpu.memref_slice %arg7[%dma_start3A_164, %dma_start3A_170] : memref<3x48xi32, #tpu.memory_space<vmem>> -> memref<1x48xi32, #tpu.memory_space<vmem>>
    %dma_start3A_172 = tpu.memref_squeeze %dma_start3A_171 : memref<1x48xi32, #tpu.memory_space<vmem>> -> memref<48xi32, #tpu.memory_space<vmem>>
    %dma_start3A_173 = arith.constant 0 : i32
    %dma_start3A_174 = arith.constant 0 : i32
    %dma_start3A_175 = tpu.memref_slice %arg11[%dma_start3A_173, %dma_start3A_174] : memref<10000x128xf32, #tpu.memory_space<vmem_shared>> -> memref<10000x128xf32, #tpu.memory_space<vmem_shared>>
    tpu.enqueue_indirect_dma source(%dma_start3A_175 : memref<10000x128xf32, #tpu.memory_space<vmem_shared>>) target(%dma_start3A_169 : memref<48x128xf32, #tpu.memory_space<vmem>>) offsets(%dma_start3A_172 : memref<48xi32, #tpu.memory_space<vmem>>) semaphore(%arg12 : memref<!tpu.dma_semaphore, #tpu.memory_space<semaphore_mem>>)
    %scan3A = arith.constant 0 : i32
    %scan3A_176 = arith.constant 0 : i32
    %scan3A_177 = arith.constant 209 : i32
    %scan3A_178 = arith.addi %scan3A_176, %scan3A_177 : i32
    %scan3A_179 = arith.constant 1 : i32
    scf.for %scan3A_247 = %scan3A_176 to %scan3A_178 step %scan3A_179  : i32 {
      %rem3A = arith.constant 3 : i32
      %rem3A_248 = arith.remsi %scan3A_247, %rem3A : i32
      %add3A_249 = arith.constant 2 : i32
      %add3A_250 = arith.addi %scan3A_247, %add3A_249 : i32
      %rem3A_251 = arith.constant 3 : i32
      %rem3A_252 = arith.remsi %add3A_250, %rem3A_251 : i32
      %dma_wait3A_253 = arith.constant 0 : i32
      %dma_wait3A_254 = tpu.memref_slice %arg6[%rem3A_252, %dma_wait3A_253] : memref<3x48xi32, #tpu.memory_space<vmem>> -> memref<1x48xi32, #tpu.memory_space<vmem>>
      %dma_wait3A_255 = tpu.memref_squeeze %dma_wait3A_254 : memref<1x48xi32, #tpu.memory_space<vmem>> -> memref<48xi32, #tpu.memory_space<vmem>>
      %dma_wait3A_256 = tpu.memref_slice %arg3[%mul3A_2] : memref<320000xi32, #tpu.memory_space<hbm>> -> memref<48xi32, #tpu.memory_space<hbm>>
      %dma_wait3A_257 = arith.constant 0 : i32
      %dma_wait3A_258 = tpu.memref_slice %arg6[%rem3A_252, %dma_wait3A_257] : memref<3x48xi32, #tpu.memory_space<vmem>> -> memref<1x48xi32, #tpu.memory_space<vmem>>
      %dma_wait3A_259 = tpu.memref_squeeze %dma_wait3A_258 : memref<1x48xi32, #tpu.memory_space<vmem>> -> memref<48xi32, #tpu.memory_space<vmem>>
      %dma_wait3A_260 = tpu.memref_slice %arg3[%mul3A_2] : memref<320000xi32, #tpu.memory_space<hbm>> -> memref<48xi32, #tpu.memory_space<hbm>>
      tpu.wait_dma2 semaphore(%arg13 : memref<!tpu.dma_semaphore, #tpu.memory_space<semaphore_mem>>) src(%dma_wait3A_260 : memref<48xi32, #tpu.memory_space<hbm>>) dst(%dma_wait3A_259 : memref<48xi32, #tpu.memory_space<vmem>>)
      %dma_wait3A_261 = arith.constant 0 : i32
      %dma_wait3A_262 = tpu.memref_slice %arg7[%rem3A_252, %dma_wait3A_261] : memref<3x48xi32, #tpu.memory_space<vmem>> -> memref<1x48xi32, #tpu.memory_space<vmem>>
      %dma_wait3A_263 = tpu.memref_squeeze %dma_wait3A_262 : memref<1x48xi32, #tpu.memory_space<vmem>> -> memref<48xi32, #tpu.memory_space<vmem>>
      %dma_wait3A_264 = tpu.memref_slice %arg4[%mul3A_2] : memref<320000xi32, #tpu.memory_space<hbm>> -> memref<48xi32, #tpu.memory_space<hbm>>
      %dma_wait3A_265 = arith.constant 0 : i32
      %dma_wait3A_266 = tpu.memref_slice %arg7[%rem3A_252, %dma_wait3A_265] : memref<3x48xi32, #tpu.memory_space<vmem>> -> memref<1x48xi32, #tpu.memory_space<vmem>>
      %dma_wait3A_267 = tpu.memref_squeeze %dma_wait3A_266 : memref<1x48xi32, #tpu.memory_space<vmem>> -> memref<48xi32, #tpu.memory_space<vmem>>
      %dma_wait3A_268 = tpu.memref_slice %arg4[%mul3A_2] : memref<320000xi32, #tpu.memory_space<hbm>> -> memref<48xi32, #tpu.memory_space<hbm>>
      tpu.wait_dma2 semaphore(%arg13 : memref<!tpu.dma_semaphore, #tpu.memory_space<semaphore_mem>>) src(%dma_wait3A_268 : memref<48xi32, #tpu.memory_space<hbm>>) dst(%dma_wait3A_267 : memref<48xi32, #tpu.memory_space<vmem>>)
      %dma_start3A_269 = arith.constant 0 : i32
      %dma_start3A_270 = arith.constant 0 : i32
      %dma_start3A_271 = tpu.memref_slice %arg8[%rem3A_252, %dma_start3A_269, %dma_start3A_270] : memref<3x48x128xf32, #tpu.memory_space<vmem>> -> memref<1x48x128xf32, #tpu.memory_space<vmem>>
      %dma_start3A_272 = tpu.memref_squeeze %dma_start3A_271 : memref<1x48x128xf32, #tpu.memory_space<vmem>> -> memref<48x128xf32, #tpu.memory_space<vmem>>
      %dma_start3A_273 = arith.constant 0 : i32
      %dma_start3A_274 = tpu.memref_slice %arg6[%rem3A_252, %dma_start3A_273] : memref<3x48xi32, #tpu.memory_space<vmem>> -> memref<1x48xi32, #tpu.memory_space<vmem>>
      %dma_start3A_275 = tpu.memref_squeeze %dma_start3A_274 : memref<1x48xi32, #tpu.memory_space<vmem>> -> memref<48xi32, #tpu.memory_space<vmem>>
      %dma_start3A_276 = arith.constant 0 : i32
      %dma_start3A_277 = arith.constant 0 : i32
      %dma_start3A_278 = tpu.memref_slice %arg11[%dma_start3A_276, %dma_start3A_277] : memref<10000x128xf32, #tpu.memory_space<vmem_shared>> -> memref<10000x128xf32, #tpu.memory_space<vmem_shared>>
      tpu.enqueue_indirect_dma source(%dma_start3A_278 : memref<10000x128xf32, #tpu.memory_space<vmem_shared>>) target(%dma_start3A_272 : memref<48x128xf32, #tpu.memory_space<vmem>>) offsets(%dma_start3A_275 : memref<48xi32, #tpu.memory_space<vmem>>) semaphore(%arg12 : memref<!tpu.dma_semaphore, #tpu.memory_space<semaphore_mem>>)
      %dma_start3A_279 = arith.constant 0 : i32
      %dma_start3A_280 = arith.constant 0 : i32
      %dma_start3A_281 = tpu.memref_slice %arg9[%rem3A_252, %dma_start3A_279, %dma_start3A_280] : memref<3x48x128xf32, #tpu.memory_space<vmem>> -> memref<1x48x128xf32, #tpu.memory_space<vmem>>
      %dma_start3A_282 = tpu.memref_squeeze %dma_start3A_281 : memref<1x48x128xf32, #tpu.memory_space<vmem>> -> memref<48x128xf32, #tpu.memory_space<vmem>>
      %dma_start3A_283 = arith.constant 0 : i32
      %dma_start3A_284 = tpu.memref_slice %arg7[%rem3A_252, %dma_start3A_283] : memref<3x48xi32, #tpu.memory_space<vmem>> -> memref<1x48xi32, #tpu.memory_space<vmem>>
      %dma_start3A_285 = tpu.memref_squeeze %dma_start3A_284 : memref<1x48xi32, #tpu.memory_space<vmem>> -> memref<48xi32, #tpu.memory_space<vmem>>
      %dma_start3A_286 = arith.constant 0 : i32
      %dma_start3A_287 = arith.constant 0 : i32
      %dma_start3A_288 = tpu.memref_slice %arg11[%dma_start3A_286, %dma_start3A_287] : memref<10000x128xf32, #tpu.memory_space<vmem_shared>> -> memref<10000x128xf32, #tpu.memory_space<vmem_shared>>
      tpu.enqueue_indirect_dma source(%dma_start3A_288 : memref<10000x128xf32, #tpu.memory_space<vmem_shared>>) target(%dma_start3A_282 : memref<48x128xf32, #tpu.memory_space<vmem>>) offsets(%dma_start3A_285 : memref<48xi32, #tpu.memory_space<vmem>>) semaphore(%arg12 : memref<!tpu.dma_semaphore, #tpu.memory_space<semaphore_mem>>)
      %dma_wait3A_289 = arith.constant 0 : i32
      %dma_wait3A_290 = arith.constant 0 : i32
      %dma_wait3A_291 = tpu.memref_slice %arg8[%rem3A_248, %dma_wait3A_289, %dma_wait3A_290] : memref<3x48x128xf32, #tpu.memory_space<vmem>> -> memref<1x48x128xf32, #tpu.memory_space<vmem>>
      %dma_wait3A_292 = tpu.memref_squeeze %dma_wait3A_291 : memref<1x48x128xf32, #tpu.memory_space<vmem>> -> memref<48x128xf32, #tpu.memory_space<vmem>>
      %dma_wait3A_293 = arith.constant 0 : i32
      %dma_wait3A_294 = tpu.memref_slice %arg6[%rem3A_248, %dma_wait3A_293] : memref<3x48xi32, #tpu.memory_space<vmem>> -> memref<1x48xi32, #tpu.memory_space<vmem>>
      %dma_wait3A_295 = tpu.memref_squeeze %dma_wait3A_294 : memref<1x48xi32, #tpu.memory_space<vmem>> -> memref<48xi32, #tpu.memory_space<vmem>>
      %dma_wait3A_296 = arith.constant 0 : i32
      %dma_wait3A_297 = arith.constant 0 : i32
      %dma_wait3A_298 = tpu.memref_slice %arg11[%dma_wait3A_296, %dma_wait3A_297] : memref<10000x128xf32, #tpu.memory_space<vmem_shared>> -> memref<10000x128xf32, #tpu.memory_space<vmem_shared>>
      tpu.wait_indirect_dma semaphore(%arg12 : memref<!tpu.dma_semaphore, #tpu.memory_space<semaphore_mem>>) src(%dma_wait3A_298 : memref<10000x128xf32, #tpu.memory_space<vmem_shared>>) dst(%dma_wait3A_292 : memref<48x128xf32, #tpu.memory_space<vmem>>)
      %dma_wait3A_299 = arith.constant 0 : i32
      %dma_wait3A_300 = arith.constant 0 : i32
      %dma_wait3A_301 = tpu.memref_slice %arg9[%rem3A_248, %dma_wait3A_299, %dma_wait3A_300] : memref<3x48x128xf32, #tpu.memory_space<vmem>> -> memref<1x48x128xf32, #tpu.memory_space<vmem>>
      %dma_wait3A_302 = tpu.memref_squeeze %dma_wait3A_301 : memref<1x48x128xf32, #tpu.memory_space<vmem>> -> memref<48x128xf32, #tpu.memory_space<vmem>>
      %dma_wait3A_303 = arith.constant 0 : i32
      %dma_wait3A_304 = tpu.memref_slice %arg7[%rem3A_248, %dma_wait3A_303] : memref<3x48xi32, #tpu.memory_space<vmem>> -> memref<1x48xi32, #tpu.memory_space<vmem>>
      %dma_wait3A_305 = tpu.memref_squeeze %dma_wait3A_304 : memref<1x48xi32, #tpu.memory_space<vmem>> -> memref<48xi32, #tpu.memory_space<vmem>>
      %dma_wait3A_306 = arith.constant 0 : i32
      %dma_wait3A_307 = arith.constant 0 : i32
      %dma_wait3A_308 = tpu.memref_slice %arg11[%dma_wait3A_306, %dma_wait3A_307] : memref<10000x128xf32, #tpu.memory_space<vmem_shared>> -> memref<10000x128xf32, #tpu.memory_space<vmem_shared>>
      tpu.wait_indirect_dma semaphore(%arg12 : memref<!tpu.dma_semaphore, #tpu.memory_space<semaphore_mem>>) src(%dma_wait3A_308 : memref<10000x128xf32, #tpu.memory_space<vmem_shared>>) dst(%dma_wait3A_302 : memref<48x128xf32, #tpu.memory_space<vmem>>)
      %add3A_309 = arith.constant 3 : i32
      %add3A_310 = arith.addi %scan3A_247, %add3A_309 : i32
      %mul3A_311 = arith.constant 48 : i32
      %mul3A_312 = arith.muli %add3A_310, %mul3A_311 : i32
      %min3A_313 = arith.constant 9952 : i32
      %min3A_314 = arith.minsi %mul3A_312, %min3A_313 : i32
      %add3A_315 = arith.addi %mul3A_2, %min3A_314 : i32
      %multiple_of3A_316 = tpu.assume_multiple %add3A_315, 8 : i32
      %dma_start3A_317 = arith.constant 0 : i32
      %dma_start3A_318 = tpu.memref_slice %arg6[%rem3A_248, %dma_start3A_317] : memref<3x48xi32, #tpu.memory_space<vmem>> -> memref<1x48xi32, #tpu.memory_space<vmem>>
      %dma_start3A_319 = tpu.memref_squeeze %dma_start3A_318 : memref<1x48xi32, #tpu.memory_space<vmem>> -> memref<48xi32, #tpu.memory_space<vmem>>
      %dma_start3A_320 = tpu.memref_slice %arg3[%multiple_of3A_316] : memref<320000xi32, #tpu.memory_space<hbm>> -> memref<48xi32, #tpu.memory_space<hbm>>
      %dma_start3A_321 = arith.constant 0 : i32
      %dma_start3A_322 = tpu.memref_slice %arg6[%rem3A_248, %dma_start3A_321] : memref<3x48xi32, #tpu.memory_space<vmem>> -> memref<1x48xi32, #tpu.memory_space<vmem>>
      %dma_start3A_323 = tpu.memref_squeeze %dma_start3A_322 : memref<1x48xi32, #tpu.memory_space<vmem>> -> memref<48xi32, #tpu.memory_space<vmem>>
      %dma_start3A_324 = tpu.memref_slice %arg3[%multiple_of3A_316] : memref<320000xi32, #tpu.memory_space<hbm>> -> memref<48xi32, #tpu.memory_space<hbm>>
      tpu.enqueue_dma source(%dma_start3A_324 : memref<48xi32, #tpu.memory_space<hbm>>) target(%dma_start3A_323 : memref<48xi32, #tpu.memory_space<vmem>>) target_semaphore(%arg13 : memref<!tpu.dma_semaphore, #tpu.memory_space<semaphore_mem>>)
      %mul3A_325 = arith.constant 48 : i32
      %mul3A_326 = arith.muli %add3A_310, %mul3A_325 : i32
      %min3A_327 = arith.constant 9952 : i32
      %min3A_328 = arith.minsi %mul3A_326, %min3A_327 : i32
      %add3A_329 = arith.addi %mul3A_2, %min3A_328 : i32
      %multiple_of3A_330 = tpu.assume_multiple %add3A_329, 8 : i32
      %dma_start3A_331 = arith.constant 0 : i32
      %dma_start3A_332 = tpu.memref_slice %arg7[%rem3A_248, %dma_start3A_331] : memref<3x48xi32, #tpu.memory_space<vmem>> -> memref<1x48xi32, #tpu.memory_space<vmem>>
      %dma_start3A_333 = tpu.memref_squeeze %dma_start3A_332 : memref<1x48xi32, #tpu.memory_space<vmem>> -> memref<48xi32, #tpu.memory_space<vmem>>
      %dma_start3A_334 = tpu.memref_slice %arg4[%multiple_of3A_330] : memref<320000xi32, #tpu.memory_space<hbm>> -> memref<48xi32, #tpu.memory_space<hbm>>
      %dma_start3A_335 = arith.constant 0 : i32
      %dma_start3A_336 = tpu.memref_slice %arg7[%rem3A_248, %dma_start3A_335] : memref<3x48xi32, #tpu.memory_space<vmem>> -> memref<1x48xi32, #tpu.memory_space<vmem>>
      %dma_start3A_337 = tpu.memref_squeeze %dma_start3A_336 : memref<1x48xi32, #tpu.memory_space<vmem>> -> memref<48xi32, #tpu.memory_space<vmem>>
      %dma_start3A_338 = tpu.memref_slice %arg4[%multiple_of3A_330] : memref<320000xi32, #tpu.memory_space<hbm>> -> memref<48xi32, #tpu.memory_space<hbm>>
      tpu.enqueue_dma source(%dma_start3A_338 : memref<48xi32, #tpu.memory_space<hbm>>) target(%dma_start3A_337 : memref<48xi32, #tpu.memory_space<vmem>>) target_semaphore(%arg13 : memref<!tpu.dma_semaphore, #tpu.memory_space<semaphore_mem>>)
      %mul3A_339 = arith.constant 48 : i32
      %mul3A_340 = arith.muli %scan3A_247, %mul3A_339 : i32
      %min3A_341 = arith.constant 9952 : i32
      %min3A_342 = arith.minsi %mul3A_340, %min3A_341 : i32
      %parallel_loop3A = arith.constant 0 : i32
      %parallel_loop3A_343 = arith.constant 48 : i32
      %parallel_loop3A_344 = arith.constant 1 : i32
      scf.for %parallel_loop3A_348 = %parallel_loop3A to %parallel_loop3A_343 step %parallel_loop3A_344  : i32 {
        %parallel_loop3A_349 = arith.index_cast %rem3A_248 : i32 to index
        %parallel_loop3A_350 = arith.index_cast %parallel_loop3A_348 : i32 to index
        %parallel_loop3A_351 = arith.constant 0 : index
        %parallel_loop3A_352 = tpu.vector_load %arg8[%parallel_loop3A_349, %parallel_loop3A_350, %parallel_loop3A_351] {strides = array<i32>} : memref<3x48x128xf32, #tpu.memory_space<vmem>>, vector<16xf32>,
        %parallel_loop3A_353 = arith.index_cast %rem3A_248 : i32 to index
        %parallel_loop3A_354 = arith.index_cast %parallel_loop3A_348 : i32 to index
        %parallel_loop3A_355 = arith.constant 0 : index
        %parallel_loop3A_356 = tpu.vector_load %arg9[%parallel_loop3A_353, %parallel_loop3A_354, %parallel_loop3A_355] {strides = array<i32>} : memref<3x48x128xf32, #tpu.memory_space<vmem>>, vector<16xf32>,
        %parallel_loop3A_357 = arith.mulf %parallel_loop3A_352, %parallel_loop3A_356 : vector<16xf32>
        %parallel_loop3A_358 = arith.index_cast %rem3A_248 : i32 to index
        %parallel_loop3A_359 = arith.index_cast %parallel_loop3A_348 : i32 to index
        %parallel_loop3A_360 = arith.constant 16 : index
        %parallel_loop3A_361 = tpu.vector_load %arg8[%parallel_loop3A_358, %parallel_loop3A_359, %parallel_loop3A_360] {strides = array<i32>} : memref<3x48x128xf32, #tpu.memory_space<vmem>>, vector<16xf32>,
        %parallel_loop3A_362 = arith.index_cast %rem3A_248 : i32 to index
        %parallel_loop3A_363 = arith.index_cast %parallel_loop3A_348 : i32 to index
        %parallel_loop3A_364 = arith.constant 16 : index
        %parallel_loop3A_365 = tpu.vector_load %arg9[%parallel_loop3A_362, %parallel_loop3A_363, %parallel_loop3A_364] {strides = array<i32>} : memref<3x48x128xf32, #tpu.memory_space<vmem>>, vector<16xf32>,
        %parallel_loop3A_366 = arith.mulf %parallel_loop3A_361, %parallel_loop3A_365 : vector<16xf32>
        %parallel_loop3A_367 = arith.index_cast %rem3A_248 : i32 to index
        %parallel_loop3A_368 = arith.index_cast %parallel_loop3A_348 : i32 to index
        %parallel_loop3A_369 = arith.constant 32 : index
        %parallel_loop3A_370 = tpu.vector_load %arg8[%parallel_loop3A_367, %parallel_loop3A_368, %parallel_loop3A_369] {strides = array<i32>} : memref<3x48x128xf32, #tpu.memory_space<vmem>>, vector<16xf32>,
        %parallel_loop3A_371 = arith.index_cast %rem3A_248 : i32 to index
        %parallel_loop3A_372 = arith.index_cast %parallel_loop3A_348 : i32 to index
        %parallel_loop3A_373 = arith.constant 32 : index
        %parallel_loop3A_374 = tpu.vector_load %arg9[%parallel_loop3A_371, %parallel_loop3A_372, %parallel_loop3A_373] {strides = array<i32>} : memref<3x48x128xf32, #tpu.memory_space<vmem>>, vector<16xf32>,
        %parallel_loop3A_375 = arith.mulf %parallel_loop3A_370, %parallel_loop3A_374 : vector<16xf32>
        %parallel_loop3A_376 = arith.index_cast %rem3A_248 : i32 to index
        %parallel_loop3A_377 = arith.index_cast %parallel_loop3A_348 : i32 to index
        %parallel_loop3A_378 = arith.constant 48 : index
        %parallel_loop3A_379 = tpu.vector_load %arg8[%parallel_loop3A_376, %parallel_loop3A_377, %parallel_loop3A_378] {strides = array<i32>} : memref<3x48x128xf32, #tpu.memory_space<vmem>>, vector<16xf32>,
        %parallel_loop3A_380 = arith.index_cast %rem3A_248 : i32 to index
        %parallel_loop3A_381 = arith.index_cast %parallel_loop3A_348 : i32 to index
        %parallel_loop3A_382 = arith.constant 48 : index
        %parallel_loop3A_383 = tpu.vector_load %arg9[%parallel_loop3A_380, %parallel_loop3A_381, %parallel_loop3A_382] {strides = array<i32>} : memref<3x48x128xf32, #tpu.memory_space<vmem>>, vector<16xf32>,
        %parallel_loop3A_384 = arith.mulf %parallel_loop3A_379, %parallel_loop3A_383 : vector<16xf32>
        %parallel_loop3A_385 = arith.index_cast %rem3A_248 : i32 to index
        %parallel_loop3A_386 = arith.index_cast %parallel_loop3A_348 : i32 to index
        %parallel_loop3A_387 = arith.constant 64 : index
        %parallel_loop3A_388 = tpu.vector_load %arg8[%parallel_loop3A_385, %parallel_loop3A_386, %parallel_loop3A_387] {strides = array<i32>} : memref<3x48x128xf32, #tpu.memory_space<vmem>>, vector<16xf32>,
        %parallel_loop3A_389 = arith.index_cast %rem3A_248 : i32 to index
        %parallel_loop3A_390 = arith.index_cast %parallel_loop3A_348 : i32 to index
        %parallel_loop3A_391 = arith.constant 64 : index
        %parallel_loop3A_392 = tpu.vector_load %arg9[%parallel_loop3A_389, %parallel_loop3A_390, %parallel_loop3A_391] {strides = array<i32>} : memref<3x48x128xf32, #tpu.memory_space<vmem>>, vector<16xf32>,
        %parallel_loop3A_393 = arith.mulf %parallel_loop3A_388, %parallel_loop3A_392 : vector<16xf32>
        %parallel_loop3A_394 = arith.index_cast %rem3A_248 : i32 to index
        %parallel_loop3A_395 = arith.index_cast %parallel_loop3A_348 : i32 to index
        %parallel_loop3A_396 = arith.constant 80 : index
        %parallel_loop3A_397 = tpu.vector_load %arg8[%parallel_loop3A_394, %parallel_loop3A_395, %parallel_loop3A_396] {strides = array<i32>} : memref<3x48x128xf32, #tpu.memory_space<vmem>>, vector<16xf32>,
        %parallel_loop3A_398 = arith.index_cast %rem3A_248 : i32 to index
        %parallel_loop3A_399 = arith.index_cast %parallel_loop3A_348 : i32 to index
        %parallel_loop3A_400 = arith.constant 80 : index
        %parallel_loop3A_401 = tpu.vector_load %arg9[%parallel_loop3A_398, %parallel_loop3A_399, %parallel_loop3A_400] {strides = array<i32>} : memref<3x48x128xf32, #tpu.memory_space<vmem>>, vector<16xf32>,
        %parallel_loop3A_402 = arith.mulf %parallel_loop3A_397, %parallel_loop3A_401 : vector<16xf32>
        %parallel_loop3A_403 = arith.index_cast %rem3A_248 : i32 to index
        %parallel_loop3A_404 = arith.index_cast %parallel_loop3A_348 : i32 to index
        %parallel_loop3A_405 = arith.constant 96 : index
        %parallel_loop3A_406 = tpu.vector_load %arg8[%parallel_loop3A_403, %parallel_loop3A_404, %parallel_loop3A_405] {strides = array<i32>} : memref<3x48x128xf32, #tpu.memory_space<vmem>>, vector<16xf32>,
        %parallel_loop3A_407 = arith.index_cast %rem3A_248 : i32 to index
        %parallel_loop3A_408 = arith.index_cast %parallel_loop3A_348 : i32 to index
        %parallel_loop3A_409 = arith.constant 96 : index
        %parallel_loop3A_410 = tpu.vector_load %arg9[%parallel_loop3A_407, %parallel_loop3A_408, %parallel_loop3A_409] {strides = array<i32>} : memref<3x48x128xf32, #tpu.memory_space<vmem>>, vector<16xf32>,
        %parallel_loop3A_411 = arith.mulf %parallel_loop3A_406, %parallel_loop3A_410 : vector<16xf32>
        %parallel_loop3A_412 = arith.index_cast %rem3A_248 : i32 to index
        %parallel_loop3A_413 = arith.index_cast %parallel_loop3A_348 : i32 to index
        %parallel_loop3A_414 = arith.constant 112 : index
        %parallel_loop3A_415 = tpu.vector_load %arg8[%parallel_loop3A_412, %parallel_loop3A_413, %parallel_loop3A_414] {strides = array<i32>} : memref<3x48x128xf32, #tpu.memory_space<vmem>>, vector<16xf32>,
        %parallel_loop3A_416 = arith.index_cast %rem3A_248 : i32 to index
        %parallel_loop3A_417 = arith.index_cast %parallel_loop3A_348 : i32 to index
        %parallel_loop3A_418 = arith.constant 112 : index
        %parallel_loop3A_419 = tpu.vector_load %arg9[%parallel_loop3A_416, %parallel_loop3A_417, %parallel_loop3A_418] {strides = array<i32>} : memref<3x48x128xf32, #tpu.memory_space<vmem>>, vector<16xf32>,
        %parallel_loop3A_420 = arith.mulf %parallel_loop3A_415, %parallel_loop3A_419 : vector<16xf32>
        %parallel_loop3A_421 = arith.addf %parallel_loop3A_357, %parallel_loop3A_366 : vector<16xf32>
        %parallel_loop3A_422 = arith.addf %parallel_loop3A_375, %parallel_loop3A_384 : vector<16xf32>
        %parallel_loop3A_423 = arith.addf %parallel_loop3A_393, %parallel_loop3A_402 : vector<16xf32>
        %parallel_loop3A_424 = arith.addf %parallel_loop3A_411, %parallel_loop3A_420 : vector<16xf32>
        %parallel_loop3A_425 = arith.addf %parallel_loop3A_421, %parallel_loop3A_422 : vector<16xf32>
        %parallel_loop3A_426 = arith.addf %parallel_loop3A_423, %parallel_loop3A_424 : vector<16xf32>
        %parallel_loop3A_427 = arith.addf %parallel_loop3A_425, %parallel_loop3A_426 : vector<16xf32>
        %parallel_loop3A_428 = arith.constant true
        %parallel_loop3A_429 = vector.broadcast %parallel_loop3A_428 : i1 to vector<16xi1>
        %parallel_loop3A_430 = tpu.scan <sum>, %parallel_loop3A_427 masked %parallel_loop3A_429 : vector<16xf32>, vector<16xi1> -> vector<16xf32>
        %parallel_loop3A_431 = arith.addi %min3A_342, %parallel_loop3A_348 : i32
        %parallel_loop3A_432 = vector.broadcast %parallel_loop3A_431 : i32 to vector<16xi32>
        tpu.vector_store_idx %arg10[%parallel_loop3A_432], %parallel_loop3A_430 masked %eq3A_4 : memref<10000xf32, #tpu.memory_space<vmem>>[vector<16xi32>], vector<16xf32>, vector<16xi1>
      } {sc.loop_unroll_factor = 2 : i64, sc.parallel_access}
      %parallel_loop3A_345 = arith.constant 0 : i32
      %parallel_loop3A_346 = arith.constant 3 : i32
      %parallel_loop3A_347 = arith.constant 1 : i32
      scf.for %parallel_loop3A_348 = %parallel_loop3A_345 to %parallel_loop3A_346 step %parallel_loop3A_347  : i32 {
        %parallel_loop3A_349 = arith.constant 16 : i32
        %parallel_loop3A_350 = arith.muli %parallel_loop3A_348, %parallel_loop3A_349 : i32
        %parallel_loop3A_351 = arith.addi %min3A_342, %parallel_loop3A_350 : i32
        %parallel_loop3A_352 = arith.index_cast %parallel_loop3A_351 : i32 to index
        %parallel_loop3A_353 = tpu.vector_load %arg10[%parallel_loop3A_352] {strides = array<i32>} : memref<10000xf32, #tpu.memory_space<vmem>>, vector<16xf32>,
        %parallel_loop3A_354 = arith.constant 0.000000e+00 : f32
        %parallel_loop3A_355 = vector.broadcast %parallel_loop3A_354 : f32 to vector<16xf32>
        %parallel_loop3A_356 = arith.subf %parallel_loop3A_355, %parallel_loop3A_353 : vector<16xf32>
        %parallel_loop3A_357 = math.exp %parallel_loop3A_356 : vector<16xf32>
        %parallel_loop3A_358 = arith.constant 1.000000e+00 : f32
        %parallel_loop3A_359 = vector.broadcast %parallel_loop3A_358 : f32 to vector<16xf32>
        %parallel_loop3A_360 = arith.addf %parallel_loop3A_359, %parallel_loop3A_357 : vector<16xf32>
        %parallel_loop3A_361 = arith.constant 1.000000e+00 : f32
        %parallel_loop3A_362 = vector.broadcast %parallel_loop3A_361 : f32 to vector<16xf32>
        %parallel_loop3A_363 = arith.divf %parallel_loop3A_362, %parallel_loop3A_360 : vector<16xf32>
        %parallel_loop3A_364 = arith.index_cast %parallel_loop3A_351 : i32 to index
        %parallel_loop3A_365 = tpu.vector_load %arg10[%parallel_loop3A_364] {strides = array<i32>} : memref<10000xf32, #tpu.memory_space<vmem>>, vector<16xf32>,
        tpu.vector_store %arg10[%parallel_loop3A_364], %parallel_loop3A_363 {strides = array<i32>} : memref<10000xf32, #tpu.memory_space<vmem>>, vector<16xf32>,
      } {sc.loop_unroll_factor = 1 : i64, sc.parallel_access}
    }
    %scan3A_180 = arith.constant 209 : i32
    %dma_wait3A_181 = arith.constant 2 : i32
    %dma_wait3A_182 = arith.constant 2 : i32
    %dma_wait3A_183 = arith.constant 0 : i32
    %dma_wait3A_184 = arith.constant 0 : i32
    %dma_wait3A_185 = tpu.memref_slice %arg8[%dma_wait3A_182, %dma_wait3A_183, %dma_wait3A_184] : memref<3x48x128xf32, #tpu.memory_space<vmem>> -> memref<1x48x128xf32, #tpu.memory_space<vmem>>
    %dma_wait3A_186 = tpu.memref_squeeze %dma_wait3A_185 : memref<1x48x128xf32, #tpu.memory_space<vmem>> -> memref<48x128xf32, #tpu.memory_space<vmem>>
    %dma_wait3A_187 = arith.constant 0 : i32
    %dma_wait3A_188 = tpu.memref_slice %arg6[%dma_wait3A_181, %dma_wait3A_187] : memref<3x48xi32, #tpu.memory_space<vmem>> -> memref<1x48xi32, #tpu.memory_space<vmem>>
    %dma_wait3A_189 = tpu.memref_squeeze %dma_wait3A_188 : memref<1x48xi32, #tpu.memory_space<vmem>> -> memref<48xi32, #tpu.memory_space<vmem>>
    %dma_wait3A_190 = arith.constant 0 : i32
    %dma_wait3A_191 = arith.constant 0 : i32
    %dma_wait3A_192 = tpu.memref_slice %arg11[%dma_wait3A_190, %dma_wait3A_191] : memref<10000x128xf32, #tpu.memory_space<vmem_shared>> -> memref<10000x128xf32, #tpu.memory_space<vmem_shared>>
    tpu.wait_indirect_dma semaphore(%arg12 : memref<!tpu.dma_semaphore, #tpu.memory_space<semaphore_mem>>) src(%dma_wait3A_192 : memref<10000x128xf32, #tpu.memory_space<vmem_shared>>) dst(%dma_wait3A_186 : memref<48x128xf32, #tpu.memory_space<vmem>>)
    %dma_wait3A_193 = arith.constant 2 : i32
    %dma_wait3A_194 = arith.constant 2 : i32
    %dma_wait3A_195 = arith.constant 0 : i32
    %dma_wait3A_196 = arith.constant 0 : i32
    %dma_wait3A_197 = tpu.memref_slice %arg9[%dma_wait3A_194, %dma_wait3A_195, %dma_wait3A_196] : memref<3x48x128xf32, #tpu.memory_space<vmem>> -> memref<1x48x128xf32, #tpu.memory_space<vmem>>
    %dma_wait3A_198 = tpu.memref_squeeze %dma_wait3A_197 : memref<1x48x128xf32, #tpu.memory_space<vmem>> -> memref<48x128xf32, #tpu.memory_space<vmem>>
    %dma_wait3A_199 = arith.constant 0 : i32
    %dma_wait3A_200 = tpu.memref_slice %arg7[%dma_wait3A_193, %dma_wait3A_199] : memref<3x48xi32, #tpu.memory_space<vmem>> -> memref<1x48xi32, #tpu.memory_space<vmem>>
    %dma_wait3A_201 = tpu.memref_squeeze %dma_wait3A_200 : memref<1x48xi32, #tpu.memory_space<vmem>> -> memref<48xi32, #tpu.memory_space<vmem>>
    %dma_wait3A_202 = arith.constant 0 : i32
    %dma_wait3A_203 = arith.constant 0 : i32
    %dma_wait3A_204 = tpu.memref_slice %arg11[%dma_wait3A_202, %dma_wait3A_203] : memref<10000x128xf32, #tpu.memory_space<vmem_shared>> -> memref<10000x128xf32, #tpu.memory_space<vmem_shared>>
    tpu.wait_indirect_dma semaphore(%arg12 : memref<!tpu.dma_semaphore, #tpu.memory_space<semaphore_mem>>) src(%dma_wait3A_204 : memref<10000x128xf32, #tpu.memory_space<vmem_shared>>) dst(%dma_wait3A_198 : memref<48x128xf32, #tpu.memory_space<vmem>>)
    %dma_wait3A_205 = arith.constant 0 : i32
    %dma_wait3A_206 = arith.constant 0 : i32
    %dma_wait3A_207 = arith.constant 0 : i32
    %dma_wait3A_208 = arith.constant 0 : i32
    %dma_wait3A_209 = tpu.memref_slice %arg8[%dma_wait3A_206, %dma_wait3A_207, %dma_wait3A_208] : memref<3x48x128xf32, #tpu.memory_space<vmem>> -> memref<1x48x128xf32, #tpu.memory_space<vmem>>
    %dma_wait3A_210 = tpu.memref_squeeze %dma_wait3A_209 : memref<1x48x128xf32, #tpu.memory_space<vmem>> -> memref<48x128xf32, #tpu.memory_space<vmem>>
    %dma_wait3A_211 = arith.constant 0 : i32
    %dma_wait3A_212 = tpu.memref_slice %arg6[%dma_wait3A_205, %dma_wait3A_211] : memref<3x48xi32, #tpu.memory_space<vmem>> -> memref<1x48xi32, #tpu.memory_space<vmem>>
    %dma_wait3A_213 = tpu.memref_squeeze %dma_wait3A_212 : memref<1x48xi32, #tpu.memory_space<vmem>> -> memref<48xi32, #tpu.memory_space<vmem>>
    %dma_wait3A_214 = arith.constant 0 : i32
    %dma_wait3A_215 = arith.constant 0 : i32
    %dma_wait3A_216 = tpu.memref_slice %arg11[%dma_wait3A_214, %dma_wait3A_215] : memref<10000x128xf32, #tpu.memory_space<vmem_shared>> -> memref<10000x128xf32, #tpu.memory_space<vmem_shared>>
    tpu.wait_indirect_dma semaphore(%arg12 : memref<!tpu.dma_semaphore, #tpu.memory_space<semaphore_mem>>) src(%dma_wait3A_216 : memref<10000x128xf32, #tpu.memory_space<vmem_shared>>) dst(%dma_wait3A_210 : memref<48x128xf32, #tpu.memory_space<vmem>>)
    %dma_wait3A_217 = arith.constant 0 : i32
    %dma_wait3A_218 = arith.constant 0 : i32
    %dma_wait3A_219 = arith.constant 0 : i32
    %dma_wait3A_220 = arith.constant 0 : i32
    %dma_wait3A_221 = tpu.memref_slice %arg9[%dma_wait3A_218, %dma_wait3A_219, %dma_wait3A_220] : memref<3x48x128xf32, #tpu.memory_space<vmem>> -> memref<1x48x128xf32, #tpu.memory_space<vmem>>
    %dma_wait3A_222 = tpu.memref_squeeze %dma_wait3A_221 : memref<1x48x128xf32, #tpu.memory_space<vmem>> -> memref<48x128xf32, #tpu.memory_space<vmem>>
    %dma_wait3A_223 = arith.constant 0 : i32
    %dma_wait3A_224 = tpu.memref_slice %arg7[%dma_wait3A_217, %dma_wait3A_223] : memref<3x48xi32, #tpu.memory_space<vmem>> -> memref<1x48xi32, #tpu.memory_space<vmem>>
    %dma_wait3A_225 = tpu.memref_squeeze %dma_wait3A_224 : memref<1x48xi32, #tpu.memory_space<vmem>> -> memref<48xi32, #tpu.memory_space<vmem>>
    %dma_wait3A_226 = arith.constant 0 : i32
    %dma_wait3A_227 = arith.constant 0 : i32
    %dma_wait3A_228 = tpu.memref_slice %arg11[%dma_wait3A_226, %dma_wait3A_227] : memref<10000x128xf32, #tpu.memory_space<vmem_shared>> -> memref<10000x128xf32, #tpu.memory_space<vmem_shared>>
    tpu.wait_indirect_dma semaphore(%arg12 : memref<!tpu.dma_semaphore, #tpu.memory_space<semaphore_mem>>) src(%dma_wait3A_228 : memref<10000x128xf32, #tpu.memory_space<vmem_shared>>) dst(%dma_wait3A_222 : memref<48x128xf32, #tpu.memory_space<vmem>>)
    %dma_wait3A_229 = arith.constant 2 : i32
    %dma_wait3A_230 = arith.constant 0 : i32
    %dma_wait3A_231 = tpu.memref_slice %arg6[%dma_wait3A_229, %dma_wait3A_230] : memref<3x48xi32, #tpu.memory_space<vmem>> -> memref<1x48xi32, #tpu.memory_space<vmem>>
    %dma_wait3A_232 = tpu.memref_squeeze %dma_wait3A_231 : memref<1x48xi32, #tpu.memory_space<vmem>> -> memref<48xi32, #tpu.memory_space<vmem>>
    %dma_wait3A_233 = tpu.memref_slice %arg3[%mul3A_2] : memref<320000xi32, #tpu.memory_space<hbm>> -> memref<48xi32, #tpu.memory_space<hbm>>
    %dma_wait3A_234 = arith.constant 0 : i32
    %dma_wait3A_235 = tpu.memref_slice %arg6[%dma_wait3A_229, %dma_wait3A_234] : memref<3x48xi32, #tpu.memory_space<vmem>> -> memref<1x48xi32, #tpu.memory_space<vmem>>
    %dma_wait3A_236 = tpu.memref_squeeze %dma_wait3A_235 : memref<1x48xi32, #tpu.memory_space<vmem>> -> memref<48xi32, #tpu.memory_space<vmem>>
    %dma_wait3A_237 = tpu.memref_slice %arg3[%mul3A_2] : memref<320000xi32, #tpu.memory_space<hbm>> -> memref<48xi32, #tpu.memory_space<hbm>>
    tpu.wait_dma2 semaphore(%arg13 : memref<!tpu.dma_semaphore, #tpu.memory_space<semaphore_mem>>) src(%dma_wait3A_237 : memref<48xi32, #tpu.memory_space<hbm>>) dst(%dma_wait3A_236 : memref<48xi32, #tpu.memory_space<vmem>>)
    %dma_wait3A_238 = arith.constant 2 : i32
    %dma_wait3A_239 = arith.constant 0 : i32
    %dma_wait3A_240 = tpu.memref_slice %arg7[%dma_wait3A_238, %dma_wait3A_239] : memref<3x48xi32, #tpu.memory_space<vmem>> -> memref<1x48xi32, #tpu.memory_space<vmem>>
    %dma_wait3A_241 = tpu.memref_squeeze %dma_wait3A_240 : memref<1x48xi32, #tpu.memory_space<vmem>> -> memref<48xi32, #tpu.memory_space<vmem>>
    %dma_wait3A_242 = tpu.memref_slice %arg4[%mul3A_2] : memref<320000xi32, #tpu.memory_space<hbm>> -> memref<48xi32, #tpu.memory_space<hbm>>
    %dma_wait3A_243 = arith.constant 0 : i32
    %dma_wait3A_244 = tpu.memref_slice %arg7[%dma_wait3A_238, %dma_wait3A_243] : memref<3x48xi32, #tpu.memory_space<vmem>> -> memref<1x48xi32, #tpu.memory_space<vmem>>
    %dma_wait3A_245 = tpu.memref_squeeze %dma_wait3A_244 : memref<1x48xi32, #tpu.memory_space<vmem>> -> memref<48xi32, #tpu.memory_space<vmem>>
    %dma_wait3A_246 = tpu.memref_slice %arg4[%mul3A_2] : memref<320000xi32, #tpu.memory_space<hbm>> -> memref<48xi32, #tpu.memory_space<hbm>>
    tpu.wait_dma2 semaphore(%arg13 : memref<!tpu.dma_semaphore, #tpu.memory_space<semaphore_mem>>) src(%dma_wait3A_246 : memref<48xi32, #tpu.memory_space<hbm>>) dst(%dma_wait3A_245 : memref<48xi32, #tpu.memory_space<vmem>>)
    "tpu.region"() ({
      %run_scoped3A = tpu.sem_alloc : memref<!tpu.dma_semaphore, #tpu.memory_space<semaphore_mem>>
      %dma_start3A_247 = tpu.memref_slice %arg5[%mul3A_2] : memref<320000xf32, #tpu.memory_space<hbm>> -> memref<10000xf32, #tpu.memory_space<hbm>>
      %dma_start3A_248 = tpu.memref_slice %arg5[%mul3A_2] : memref<320000xf32, #tpu.memory_space<hbm>> -> memref<10000xf32, #tpu.memory_space<hbm>>
      tpu.enqueue_dma source(%arg10 : memref<10000xf32, #tpu.memory_space<vmem>>) target(%dma_start3A_248 : memref<10000xf32, #tpu.memory_space<hbm>>) target_semaphore(%run_scoped3A : memref<!tpu.dma_semaphore, #tpu.memory_space<semaphore_mem>>)
      %dma_wait3A_249 = tpu.memref_slice %arg5[%mul3A_2] : memref<320000xf32, #tpu.memory_space<hbm>> -> memref<10000xf32, #tpu.memory_space<hbm>>
      %dma_wait3A_250 = tpu.memref_slice %arg5[%mul3A_2] : memref<320000xf32, #tpu.memory_space<hbm>> -> memref<10000xf32, #tpu.memory_space<hbm>>
      tpu.wait_dma2 semaphore(%run_scoped3A : memref<!tpu.dma_semaphore, #tpu.memory_space<semaphore_mem>>) src(%arg10 : memref<10000xf32, #tpu.memory_space<vmem>>) dst(%dma_wait3A_250 : memref<10000xf32, #tpu.memory_space<hbm>>)
      tpu.yield
    }) : () -> ()
    return
  }
}

</mosaic_0001>

<sc_bundles>
// kernel: kernel.3.cloned.1.call-start
scs
__scs_entry_jumppad:
0x0: {  	(pc) =	sbr.rel $0x88, $3  }
0x1: {  	(tag) =	ssettag $0x0;
	lr =	simm.s32 $0x1  }
0x2: {  	[smem:$0x3F9F] =	sst lr;
	_ =	strace $0xD0000000  }
0x3: {  	_ = 	snop  }
0x4: {  	_ = 	snop  }
0x5: {  	_ = 	snop  }
0x6: {  	_ = 	snop  }
0x7: {  	_ = 	snop  }
__scs_overlays_trampoline_lowered:
0x8: {  	[smem:$0x3FAE] =	sst s0  }
0x9: {  	[smem:$0x3FAF] =	sst s1  }
0xa: {  	[smem:$0x3FB0] =	sst s2  }
0xb: {  	[smem:$0x3FB1] =	sst s3  }
0xc: {  	[smem:$0x3FB2] =	sst s4  }
0xd: {  	[smem:$0x3FB3] =	sst s5  }
0xe: {  	[smem:$0x3FB4] =	sst s6  }
0xf: {  	[smem:$0x3FB5] =	sst s7  }
0x10: {  	[smem:$0x3FB6] =	sst s8  }
0x11: {  	[smem:$0x3FB7] =	sst s9;
	s0 =	simm.s32 @!p0 $0x0  }
0x12: {  	s1 =	sld [smem:$0x3F9D];
	s0 =	simm.s32 @p0 $0x1  }
0x13: {  	[smem:$0x3FB8] =	sst s0;
	s0 =	simm.s32 @!p1 $0x0  }
0x14: {  	s2 =	sld [smem:$0x3F9C];
	s0 =	simm.s32 @p1 $0x1  }
0x15: {  	[smem:$0x3FB9] =	sst s0;
	s0 =	simm.s32 @!p2 $0x0  }
0x16: {  	s3 =	sld [smem:$0x3FDB];
	s0 =	simm.s32 @p2 $0x1  }
0x17: {  	s4 =	simm.s32 $0x1BF5;
	[smem:$0x3FBB] =	sst s0  }
0x18: {  	s0 =	sld [smem:$0x3F9E];
	_ =	swait.ge [sflag:s4], $0x0  }
0x19: {  	s7 =	sld [smem:$0x3F9F]  }
0x1a: {  	s8 =	sadd.s32 $0xFFFFE003, lr  }
0x1b: {  	s9 =	sadd.s32 $0xFFFFFEF7, lr;
	s5 =	simm.s32 $0xFFFFFFFF;
	p2 =	slt.u32 s8, $0xFFFFF086  }
0x1c: {  	p1 =	slt.u32 s9, $0xF7A;
	s5 =	simm.s32 @!p2 $0x0  }
0x1d: {  	s5 =	simm.s32 @p1 $0x1;
	p0 =	seq.s32 s7, s2  }
0x1e: {  	s7 =	smul.u32 @!p0 $0xF7A, s2;
	p2 =	seq.s32 @!p0 s5, $0x0  }
0x1f: {  	s9 =	smul.u32 $0xF7A, s1;
	s8 =	simm.s32 @!p0 $0x1BF5;
	p2 =	por !p2, p0  }
0x20: {  	[sflag:s8] =	ssyncset.s32 @!p0 $0xFFFFF086;
	s6 =	sadd.s32 @!p0 s3, s7;
	s7 =	simm.s32 @!p0 $0x108  }
0x21: {  	s3 =	sadd.s32 s3, s9;
	s6 =	sadd.s32 @!p0 $0x88, s6;
	s7 =	simm.s32 @p2 $0x1082  }
0x22: {  	[simem:s7], [sflag:s8] =	dma.local @!p0 [hbm:s6], $0xF7A  }
0x23: {  	s9 =	sor.u32 $0xD0000000, s2;
	s6 =	simm.s32 $0x108;
	_ =	swait.ge @!p0 [sflag:s8], $0x0  }
0x24: {  	s3 =	sadd.s32 $0x88, s3;
	s6 =	simm.s32 @!p1 $0x1082;
	[sflag:s4] =	ssyncset.s32 $0xFFFFF086  }
0x25: {  	[simem:s6], [sflag:s4] =	dma.local [hbm:s3], $0xF7A  }
0x26: {  	[smem:$0x3F9F] =	sst s1;
	(tag) =	ssettag s2;
	_ =	strace s9  }
0x27: {  	s1 =	sld [smem:$0x3FAF]  }
0x28: {  	s2 =	sld [smem:$0x3FB0]  }
0x29: {  	s4 =	sld [smem:$0x3FB2]  }
0x2a: {  	p0 =	seq.s32 s5, $0x0;
	s5 =	sld [smem:$0x3FB3]  }
0x2b: {  	s6 =	sld [smem:$0x3FB4]  }
0x2c: {  	s7 =	sld [smem:$0x3FB5]  }
0x2d: {  	s3 =	simm.s32 $0x108;
	s8 =	sld [smem:$0x3FB6]  }
0x2e: {  	s3 =	simm.s32 @!p0 $0x1082;
	s9 =	sld [smem:$0x3FB7]  }
0x2f: {  	lr =	sadd.s32 s0, s3;
	s0 =	sld [smem:$0x3FAE]  }
0x30: {  	s3 =	sld [smem:$0x3FB1]  }
0x31: {  	[smem:$0x3FBA] =	sst s10  }
0x32: {  	s10 =	sld [smem:$0x3FB8];
	_ =	sdelay $0x3  }
0x33: {  	p0 =	seq.s32 s10, $0x1;
	s10 =	sld [smem:$0x3FBA];
	_ =	sdelay $0x3  }
0x34: {  	[smem:$0x3FBA] =	sst s10  }
0x35: {  	s10 =	sld [smem:$0x3FB9];
	_ =	sdelay $0x3  }
0x36: {  	p1 =	seq.s32 s10, $0x1;
	s10 =	sld [smem:$0x3FBA];
	_ =	sdelay $0x3  }
0x37: {  	[smem:$0x3FBA] =	sst s10  }
0x38: {  	s10 =	sld [smem:$0x3FBB]  }
0x39: {  	_ = 	snop;
	(pc) =	sbr.ind lr, $3  }
0x3a: {  	_ = 	snop  }
0x3b: {  	_ = 	snop  }
0x3c: {  	p2 =	seq.s32 s10, $0x1;
	s10 =	sld [smem:$0x3FBA]  }
0x3d: {  	_ =	shalt  }
0x3e: {  	_ =	shalt  }
0x3f: {  	_ =	shalt  }
0x40: {  	_ =	shalt  }
0x41: {  	_ =	shalt  }
0x42: {  	_ =	shalt  }
0x43: {  	_ =	shalt  }
0x44: {  	_ =	shalt  }
0x45: {  	_ =	shalt  }
0x46: {  	_ =	shalt  }
0x47: {  	_ =	shalt  }
0x48: {  	_ =	shalt  }
0x49: {  	_ =	shalt  }
0x4a: {  	_ =	shalt  }
0x4b: {  	_ =	shalt  }
0x4c: {  	_ =	shalt  }
0x4d: {  	_ =	shalt  }
0x4e: {  	_ =	shalt  }
0x4f: {  	_ =	shalt  }
0x50: {  	_ =	shalt  }
0x51: {  	_ =	shalt  }
0x52: {  	_ =	shalt  }
0x53: {  	_ =	shalt  }
0x54: {  	_ =	shalt  }
0x55: {  	_ =	shalt  }
0x56: {  	_ =	shalt  }
0x57: {  	_ =	shalt  }
0x58: {  	_ =	shalt  }
0x59: {  	_ =	shalt  }
0x5a: {  	_ =	shalt  }
0x5b: {  	_ =	shalt  }
0x5c: {  	_ =	shalt  }
0x5d: {  	_ =	shalt  }
0x5e: {  	_ =	shalt  }
0x5f: {  	_ =	shalt  }
0x60: {  	_ =	shalt  }
0x61: {  	_ =	shalt  }
0x62: {  	_ =	shalt  }
0x63: {  	_ =	shalt  }
0x64: {  	_ =	shalt  }
0x65: {  	_ =	shalt  }
0x66: {  	_ =	shalt  }
0x67: {  	_ =	shalt  }
0x68: {  	_ =	shalt  }
0x69: {  	_ =	shalt  }
0x6a: {  	_ =	shalt  }
0x6b: {  	_ =	shalt  }
0x6c: {  	_ =	shalt  }
0x6d: {  	_ =	shalt  }
0x6e: {  	_ =	shalt  }
0x6f: {  	_ =	shalt  }
0x70: {  	_ =	shalt  }
0x71: {  	_ =	shalt  }
0x72: {  	_ =	shalt  }
0x73: {  	_ =	shalt  }
0x74: {  	_ =	shalt  }
0x75: {  	_ =	shalt  }
0x76: {  	_ =	shalt  }
0x77: {  	_ =	shalt  }
0x78: {  	_ =	shalt  }
0x79: {  	_ =	shalt  }
0x7a: {  	_ =	shalt  }
0x7b: {  	_ =	shalt  }
0x7c: {  	_ =	shalt  }
0x7d: {  	_ =	shalt  }
0x7e: {  	_ =	shalt  }
0x7f: {  	_ =	shalt  }
0x80: {  	_ =	shalt  }
0x81: {  	_ =	shalt  }
0x82: {  	_ =	shalt  }
0x83: {  	_ =	shalt  }
0x84: {  	_ =	shalt  }
0x85: {  	_ =	shalt  }
0x86: {  	_ =	shalt  }
0x87: {  	_ =	shalt  }
.Lfunc_end0:
.L_simem_size_0:
called_computation_lowered:
.L_overlay_start_0:
0x88: {  	s2 =	sld [smem:$0x3FD9]  }
0x89: {  	s3 =	sld [smem:$0x3FFE];
	_ =	sdelay $0x1  }
0x8a: {  	s1 =	srdreg.scid  }
0x8b: {  	s0 =	sand.u32 $0x1, s1  }
0x8c: {  	s17 =	sshll.u32 s0, $0xA;
	s2 =	sadd.s32 s3, s2  }
0x8d: {  	s2 =	sadd.s32 s2, s17  }
0x8e: {  	[smem:$0x3FC6] =	sst s2  }
0x8f: {  	_ = 	snop  }
0x90: {  	s2 =	sld [smem:$0x3FC9]  }
0x91: {  	s18 =	sld [smem:$0x3FD0];
	(tm) =	ssettm $0x1  }
0x92: {  	s4 =	sld [smem:$0x3FFB];
	_ =	sdelay $0x3  }
0x93: {  	_ =	strace s4  }
0x94: {  	s4 =	sld [smem:$0x3FFC];
	_ =	sdelay $0x3  }
0x95: {  	_ =	strace s4  }
0x96: {  	s4 =	sld [smem:$0x3FFD];
	_ =	sdelay $0x3  }
0x97: {  	_ =	strace s4  }
0x98: {  	_ =	strace $0x8FFFFFFF  }
0x99: {  	s19 =	sld [smem:$0x3FDB];
	_ =	sdelay $0x1  }
0x9a: {  	s5 =	simm.s32 $_scs_section_size  }
0x9b: {  	s6 =	simm.s32 $_size__tile_overlayer_lowered;
	s7 =	simm.s32 $_tile_overlayer_lowered  }
0x9c: {  	s22 =	simm.s32 $0x1BFF;
	s21 =	sshll.u32 s7, $0x1;
	s4 =	sadd.s32 s5, s19  }
0x9d: {  	s8 =	simm.s32 $0x0;
	s20 =	sshll.u32 s6, $0x1;
	s6 =	sadd.s32 s21, s4  }
0x9e: {  	[timem:s8], [sflag:s22] =	dma.local [hbm:s6], s20  }
0x9f: {  	_ =	swait.ge [sflag:s22], s20  }
0xa0: {  	s5 =	ssub.s32 $0x0, s20;
	[sflag:s22] =	ssyncset.done $0x0  }
0xa1: {  	[sflag:s22] =	ssyncadd.s32 s5;
	_ =	sdelay $0x1  }
0xa2: {  	s23 =	simm.s32 $0x1B8B  }
0xa3: {  	_ =	swait.ge [sflag:s23], $0x1  }
0xa4: {  	[sflag:s23] =	ssyncset.done $0x0  }
0xa5: {  	s25 =	simm.s32 $0x1B8E;
	s24 =	sld [smem:$0x3FFE];
	[sflag:s23] =	ssyncadd.s32 $0xFFFFFFFF  }
0xa6: {  	s26 =	simm.s32 $execute0_lowered;
	[smem:$0x3FD2] =	sst s25  }
0xa7: {  	s6 =	sshll.u32 s26, $0x1;
	_ =	strace $0x80000046;
	[dreg:$0x1] =	wrdreg $0xFFFFFFFF  }
0xa8: {  	s28 =	simm.s32 $_size_execute0_lowered;
	s4 =	sadd.s32 s4, s6;
	[dreg:$0x0] =	wrdreg $0x0  }
0xa9: {  	s6 =	sshll.u32 s28, $0x1;
	[dreg:$0x2] =	wrdreg s4  }
0xaa: {  	[dreg:$0x3] =	wrdreg s6  }
0xab: {  	[dreg:$0x4] =	wrdreg $0xC0  }
0xac: {  	_ =	task [dreg:s8], $0x5FFFF  }
0xad: {  	[dreg:$0x1] =	wrdreg $0xFFFFFFFF  }
0xae: {  	[dreg:$0x0] =	wrdreg $0x60  }
0xaf: {  	[dreg:$0x2] =	wrdreg s2  }
0xb0: {  	[dreg:$0x3] =	wrdreg s24  }
0xb1: {  	[dreg:$0x4] =	wrdreg s18  }
0xb2: {  	[dreg:$0x5] =	wrdreg $0xBB800  }
0xb3: {  	[dreg:$0x6] =	wrdreg $0x9  }
0xb4: {  	_ =	task.clear_ibuf [dreg:s8], $0x7FFFF;
	_ =	strace $0x90000046  }
0xb5: {  	s29 =	simm.s32 $0x9;
	_ =	strace $0x80000048  }
0xb6: {  	_ =	swait.ge [sflag:s29], $0x1  }
0xb7: {  	[sflag:s29] =	ssyncadd.s32 $0xFFFFFFFF  }
0xb8: {  	_ =	strace $0x90000048  }
0xb9: {  	_ =	sfence  }
0xba: {  	s30 =	sld [smem:$0x0];
	_ =	sdelay $0x2  }
0xbb: {  	s31 =	sshll.u32 s1, $0xD;
	s1 =	sshrl.u32 s1, $0x2  }
0xbc: {  	s3 =	sand.u32 $0x4000, s31;
	s1 =	sadd.s32 s1, s30  }
0xbd: {  	s0 =	sor.u32 s3, s0;
	s1 =	sshll.u32 s1, $0x11  }
0xbe: {  	s0 =	sor.u32 s1, s0  }
0xbf: {  	s0 =	sadd.s32 $0x8F2B, s0  }
0xc0: {  	[sflag:s0] =	ssyncadd.remote.s32 $0x1  }
0xc1: {  	_ =	sfence.sel $0xFFFF  }
0xc2: {  	[dreg:$0x0] =	wrdreg $0xFFFFFFFF;
	(pc) =	sbr.abs _section_cstart, $3  }
0xc3: {  	[dreg:$0x1] =	wrdreg $0xFFFFFFFF  }
0xc4: {  	_ =	task.clear_ibuf [dreg:s8], $0x2FFFF;
	_ =	strace $0x9FFFFFFF  }
0xc5: {  	(tm) =	ssettm $0x7FFFFFFF  }
tec
execute0_lowered:
.L_overlay_start_1:
0x0: {  	(tag) =	ssettag $0x1  }
0x1: {  	s0 =	rddreg [dreg:$0x0]  }
0x2: {  	s1 =	rddreg [dreg:$0x1]  }
0x3: {  	s4 =	rddreg [dreg:$0x2]  }
0x4: {  	s2 =	rddreg [dreg:$0x3]  }
0x5: {  	s3 =	simm.s32 $0x0;
	s6 =	srdreg.scid;
	s11 =	stileid.u32  }
0x6: {  	s20 =	simm.s32 $0x200;
	s21 =	simm.s32 $0x80;
	s22 =	simm.s32 $0x280  }
0x7: {  	s31 =	simm.s32 $0x1;
	[smem:$0x7FF] =	sst s3;
	s5 =	sadd.s32 $0x9E00, s1  }
0x8: {  	s6 =	sand.u32 $0x1, s6;
	s7 =	sshll.u32 s11, $0x1;
	s8 =	smul.u32 $0x4E000, s11  }
0x9: {  	s23 =	smul.u32 $0x2700, s11;
	p0 =	seq.s32 s11, $0xF;
	s9 =	ssub.s32 $0x2, s6  }
0xa: {  	_ =	strace $0x80000047;
	s6 =	sor.u32 s6, s7;
	s10 =	sshrl.u32 s9, $0x1  }
0xb: {  	s6 =	smul.u32 $0x2710, s6;
	s8 =	sshrl.u32 s8, $0x2;
	s7 =	sadd.s32 s0, s23  }
0xc: {  	s0 =	sadd.s32 $0x24900, s0;
	s23 =	simm.s32 $0x0;
	s9 =	ssub.s32 s9, s10  }
0xd: {  	s8 =	sadd.s32 s8, s2;
	[dreg:$0x5] =	wrdreg s7;
	s7 =	sadd.s32 $0x124800, s2  }
0xe: {  	[dreg:$0x6] =	wrdreg s0;
	s0 =	sshll.u32 @!p0 s11, $0x6;
	s24 =	sshrl.u32 s6, $0x3  }
0xf: {  	s14 =	sadd.s32 $0x90, s6;
	s16 =	smax.u32 s9, $0x1;
	s17 =	sshrl.u32 @p0 s7, $0x3  }
0x10: {  	s18 =	sor.u32 @!p0 $0x1C03, s0;
	s19 =	sshrl.u32 @!p0 s8, $0x3;
	s25 =	sadd.s32 s5, s24  }
0x11: {  	s26 =	sadd.s32 s1, s24;
	s28 =	sadd.s32 $0x6, s24;
	[dreg:$0x7] =	wrdreg s25  }
0x12: {  	s0 =	simm.s32 $0x9400;
	[dreg:$0x8] =	wrdreg s26;
	s12 =	sadd.s32 s5, s28  }
0x13: {  	s29 =	sadd.s32 $0xC, s24;
	s10 =	sadd.s32 s1, s28;
	[dreg:$0x9] =	wrdreg s12  }
0x14: {  	s15 =	sadd.s32 s4, s24;
	s30 =	sadd.s32 s5, s29;
	[dreg:$0xa] =	wrdreg s10  }
0x15: {  	s4 =	simm.s32 $0x3;
	[dreg:$0xb] =	wrdreg s30;
	s10 =	sadd.s32 s1, s29  }
0x16: {  	vm0 =	vcmask $0x3F3C;
	s25 =	simm.s32 $0x2;
	s26 =	simm.s32 $0x30;
	[dreg:$0xc] =	wrdreg s10  }
.LBB2_1:
0x17: {  	s6 =	simm.s32 @p0 $0x1FC3;
	s7 =	rddreg [dreg:$0x6]  }
0x18: {  	[spmem:s17], [sflag:s6] =	dma.local @p0 [hbm:s7], $0x2800  }
0x19: {  	s6 =	simm.s32 @p0 $0x3  }
0x1a: {  	_ =	swait.ge @p0 [sflag:s6], $0x2800  }
0x1b: {  	[sflag:s6] =	ssyncset.done @p0 $0x0  }
0x1c: {  	[sflag:s6] =	ssyncadd.s32 @p0 $0xFFFFD800;
	s6 =	rddreg [dreg:$0x5]  }
0x1d: {  	[spmem:s19], [sflag:s18] =	dma.local @!p0 [hbm:s6], $0x2700  }
0x1e: {  	s6 =	simm.s32 @!p0 $0x3  }
0x1f: {  	_ =	swait.ge @!p0 [sflag:s6], $0x2700  }
0x20: {  	[sflag:s6] =	ssyncset.done @!p0 $0x0  }
0x21: {  	[sflag:s6] =	ssyncadd.s32 @!p0 $0xFFFFD900  }
0x22: {  	[bflag:$0x0] =	sbarrier.arrive $0xFFFF  }
0x23: {  	s12 =	rddreg [dreg:$0x7]  }
0x24: {  	[tilespmem:s3], [sflag:$0x2] =	stream.linear.gather [hbm4b:s12+s3], $0x30, $0x38;
	[tilespmem:$0x1F400] =	vst v63  }
0x25: {  	s13 =	rddreg [dreg:$0x8]  }
0x26: {  	[tilespmem:s20], [sflag:$0x2] =	stream.linear.gather [hbm4b:s13+s3], $0x30, $0x38;
	[tilespmem:$0x1F400] =	vst v63  }
0x27: {  	s24 =	rddreg [dreg:$0x9]  }
0x28: {  	[tilespmem:s21], [sflag:$0x2] =	stream.linear.gather [hbm4b:s24+s3], $0x30, $0x38;
	[tilespmem:$0x1F400] =	vst v63  }
0x29: {  	s7 =	rddreg [dreg:$0xa]  }
0x2a: {  	[tilespmem:s22], [sflag:$0x2] =	stream.linear.gather [hbm4b:s7+s3], $0x30, $0x38;
	[tilespmem:$0x1F400] =	vst v63  }
0x2b: {  	s9 =	simm.s32 $0x100;
	s8 =	rddreg [dreg:$0xb]  }
0x2c: {  	[tilespmem:s9], [sflag:$0x2] =	stream.linear.gather [hbm4b:s8+s3], $0x30, $0x38;
	[tilespmem:$0x1F400] =	vst v63  }
0x2d: {  	s11 =	simm.s32 $0x300;
	s10 =	rddreg [dreg:$0xc]  }
0x2e: {  	[tilespmem:s11], [sflag:$0x2] =	stream.linear.gather [hbm4b:s10+s3], $0x30, $0x38;
	[tilespmem:$0x1F400] =	vst v63  }
0x2f: {  	_ =	swait.ge [sflag:s25], $0x30  }
0x30: {  	[sflag:s25] =	ssyncset.done $0x0  }
0x31: {  	[sflag:s25] =	ssyncadd.s32 $0xFFFFFFD0  }
0x32: {  	_ =	swait.ge [sflag:s25], $0x30  }
0x33: {  	[sflag:s25] =	ssyncset.done $0x0  }
0x34: {  	s12 =	simm.s32 $0x400;
	[sflag:s25] =	ssyncadd.s32 $0xFFFFFFD0  }
0x35: {  	[tilespmem:s12], [sflag:$0x1] =	stream.indirect.gather [spmem:s2], $0x80, s3, s26, $0xb8;
	[tilespmem:$0x1F400] =	vst v63  }
0x36: {  	s11 =	simm.s32 $0x4C00  }
0x37: {  	[tilespmem:s11], [sflag:$0x1] =	stream.indirect.gather [spmem:s2], $0x80, s20, s26, $0xb8;
	[tilespmem:$0x1F400] =	vst v63  }
0x38: {  	_ =	swait.ge [sflag:s25], $0x30  }
0x39: {  	[sflag:s25] =	ssyncset.done $0x0  }
0x3a: {  	[sflag:s25] =	ssyncadd.s32 $0xFFFFFFD0  }
0x3b: {  	_ =	swait.ge [sflag:s25], $0x30  }
0x3c: {  	[sflag:s25] =	ssyncset.done $0x0  }
0x3d: {  	s28 =	simm.s32 $0x4F0;
	s13 =	simm.s32 $0x1C00;
	[sflag:s25] =	ssyncadd.s32 $0xFFFFFFD0  }
0x3e: {  	[tilespmem:s13], [sflag:$0x1] =	stream.indirect.gather [spmem:s2], $0x80, s21, s26, $0xb8;
	[tilespmem:$0x1F400] =	vst v63  }
0x3f: {  	s29 =	simm.s32 $0x0;
	s30 =	simm.s32 $0x0;
	s24 =	simm.s32 $0x6400  }
0x40: {  	[tilespmem:s24], [sflag:$0x1] =	stream.indirect.gather [spmem:s2], $0x80, s22, s26, $0xb8;
	[tilespmem:$0x1F400] =	vst v63  }
.LBB2_2:
0x41: {  	s6 =	sadd.s32 $0x2, s30  }
0x42: {  	s7 =	sand.u32 $0xFF, s6  }
0x43: {  	s7 =	smul.u32 $0xAB, s7;
	_ =	sdelay $0x1  }
0x44: {  	s7 =	sshrl.u32 s7, $0x9  }
0x45: {  	_ =	swait.ge [sflag:s25], $0x30;
	s7 =	smul.u32 $0x3, s7  }
0x46: {  	[sflag:s25] =	ssyncset.done $0x0  }
0x47: {  	[sflag:s25] =	ssyncadd.s32 $0xFFFFFFD0;
	s6 =	ssub.s32 s6, s7  }
0x48: {  	s8 =	smul.u32 $0xAB, s30;
	_ =	swait.ge [sflag:s25], $0x30;
	s6 =	sand.u32 $0xFF, s6  }
0x49: {  	[sflag:s25] =	ssyncset.done $0x0;
	s24 =	smul.u32 $0x1800, s6  }
0x4a: {  	s9 =	smulhi.u32 $0xAAAAAAAB, s30;
	s13 =	sshrl.u32 s8, $0x9;
	[sflag:s25] =	ssyncadd.s32 $0xFFFFFFD0  }
0x4b: {  	s7 =	sand.u32 $0x7F, s13;
	s6 =	sshll.u32 s6, $0x7;
	s10 =	sor.u32 $0x400, s24  }
0x4c: {  	[tilespmem:s10], [sflag:$0x1] =	stream.indirect.gather [spmem:s2], $0x80, s6, s26, $0xb8;
	[tilespmem:$0x1F400] =	vst v63  }
0x4d: {  	s7 =	smul.u32 $0x3, s7;
	s8 =	sadd.s32 $0x4C00, s24;
	s6 =	sor.u32 $0x200, s6  }
0x4e: {  	[tilespmem:s8], [sflag:$0x1] =	stream.indirect.gather [spmem:s2], $0x80, s6, s26, $0xb8;
	[tilespmem:$0x1F400] =	vst v63  }
0x4f: {  	s9 =	sshrl.u32 s9, $0x1;
	s10 =	smul.u32 $0x30, s30;
	_ =	swait.ge [sflag:s31], $0x1800  }
0x50: {  	s6 =	smul.u32 $0xFFFEE000, s9;
	[sflag:s31] =	ssyncset.done $0x0  }
0x51: {  	s7 =	ssub.s32 s30, s7;
	s8 =	smin.u32 s10, $0x2650;
	[sflag:s31] =	ssyncadd.s32 $0xFFFFE800  }
0x52: {  	s8 =	sadd.s32 s8, s14;
	s6 =	sshra.s32 s6, $0x2;
	_ =	swait.ge [sflag:s31], $0x1800  }
0x53: {  	s7 =	sand.u32 $0xFF, s7;
	s8 =	sshrl.u32 s8, $0x3;
	v0 =	vmov s6;
	[sflag:s31] =	ssyncset.done $0x0  }
0x54: {  	s12 =	sshll.u32 s7, $0x7;
	s13 =	sadd.s32 s5, s8;
	[sflag:s31] =	ssyncadd.s32 $0xFFFFE800  }
0x55: {  	[tilespmem:s12], [sflag:$0x2] =	stream.linear.gather [hbm4b:s13+s3], $0x30, $0x38;
	[tilespmem:$0x1F400] =	vst v63  }
0x56: {  	s6 =	sor.u32 $0x200, s12;
	s24 =	sadd.s32 s1, s8  }
0x57: {  	[tilespmem:s6], [sflag:$0x2] =	stream.linear.gather [hbm4b:s24+s3], $0x30, $0x38;
	[tilespmem:$0x1F400] =	vst v63  }
0x58: {  	v2 =	vld.idx.msk [tilespmem:v0+s28+$0xFFFFFF90 ss:$0x1], $0xffff  }
0x59: {  	v3 =	vld.idx.msk [tilespmem:v0+s11+$0x80 ss:$0x1], $0xffff  }
0x5a: {  	v4 =	vld.idx.msk [tilespmem:v0+s28+$0xFFFFFFA0 ss:$0x1], $0xffff  }
0x5b: {  	v5 =	vld.idx.msk [tilespmem:v0+s11+$0x90 ss:$0x1], $0xffff  }
0x5c: {  	v6 =	vld.idx.msk [tilespmem:v0+s28+$0xFFFFFFB0 ss:$0x1], $0xffff  }
0x5d: {  	v7 =	vld.idx.msk [tilespmem:v0+s11+$0xA0 ss:$0x1], $0xffff  }
0x5e: {  	v8 =	vld.idx.msk [tilespmem:v0+s28+$0xFFFFFFC0 ss:$0x1], $0xffff  }
0x5f: {  	v9 =	vld.idx.msk [tilespmem:v0+s11+$0xB0 ss:$0x1], $0xffff  }
0x60: {  	v10 =	vld.idx.msk [tilespmem:v0+s28+$0xFFFFFFD0 ss:$0x1], $0xffff  }
0x61: {  	v11 =	vld.idx.msk [tilespmem:v0+s11+$0xC0 ss:$0x1], $0xffff  }
0x62: {  	v12 =	vld.idx.msk [tilespmem:v0+s28+$0xFFFFFFE0 ss:$0x1], $0xffff  }
0x63: {  	v13 =	vld.idx.msk [tilespmem:v0+s11+$0xD0 ss:$0x1], $0xffff  }
0x64: {  	v14 =	vld.idx.msk [tilespmem:v0+s28+$0xFFFFFFF0 ss:$0x1], $0xffff  }
0x65: {  	v15 =	vld.idx.msk [tilespmem:v0+s11+$0xE0 ss:$0x1], $0xffff  }
0x66: {  	v16 =	vld.idx.msk [tilespmem:v0+s28+$0x0 ss:$0x1], $0xffff  }
0x67: {  	v17 =	vld.idx.msk [tilespmem:v0+s11+$0xF0 ss:$0x1], $0xffff  }
0x68: {  	v1 =	vld.idx.msk [tilespmem:v0+s11+$0x0 ss:$0x1], $0xffff  }
0x69: {  	v18 =	vld.idx.msk [tilespmem:v0+s28+$0xFFFFFF20 ss:$0x1], $0xffff  }
0x6a: {  	v19 =	vld.idx.msk [tilespmem:v0+s11+$0x10 ss:$0x1], $0xffff;
	v2 =	vmul.f32 v3, v2;
	v3 =	vmul.f32 v5, v4  }
0x6b: {  	v20 =	vld.idx.msk [tilespmem:v0+s28+$0xFFFFFF30 ss:$0x1], $0xffff;
	v4 =	vmul.f32 v7, v6;
	v5 =	vmul.f32 v9, v8  }
0x6c: {  	v21 =	vld.idx.msk [tilespmem:v0+s11+$0x20 ss:$0x1], $0xffff;
	v7 =	vmul.f32 v11, v10;
	v8 =	vmul.f32 v13, v12  }
0x6d: {  	v61 =	vld.idx.msk [tilespmem:v0+s28+$0xFFFFFF50 ss:$0x1], $0xffff;
	v10 =	vmul.f32 v15, v14;
	v11 =	vmul.f32 v17, v16  }
0x6e: {  	v62 =	vld.idx.msk [tilespmem:v0+s11+$0x40 ss:$0x1], $0xffff;
	v2 =	vadd.f32 v3, v2;
	v3 =	vadd.f32 v5, v4  }
0x6f: {  	v6 =	vld.idx.msk [tilespmem:v0+s28+$0xFFFFFF40 ss:$0x1], $0xffff;
	v5 =	vadd.f32 v8, v7;
	v8 =	vadd.f32 v11, v10  }
0x70: {  	v9 =	vld.idx.msk [tilespmem:v0+s11+$0x30 ss:$0x1], $0xffff  }
0x71: {  	v4 =	vld.idx.msk [tilespmem:v0+s28+$0xFFFFFF60 ss:$0x1], $0xffff;
	v2 =	vadd.f32 v3, v2;
	v3 =	vadd.f32 v8, v5  }
0x72: {  	v7 =	vld.idx.msk [tilespmem:v0+s11+$0x50 ss:$0x1], $0xffff  }
0x73: {  	v5 =	vld.idx.msk [tilespmem:v0+s28+$0xFFFFFF70 ss:$0x1], $0xffff;
	v3 =	vadd.f32 v3, v2  }
0x74: {  	v8 =	vld.idx.msk [tilespmem:v0+s11+$0x60 ss:$0x1], $0xffff  }
0x75: {  	v10 =	vmul.f32 v21, v20;
	v63 =	vmul.f32 v9, v6;
	v6 =	vld.idx.msk [tilespmem:v0+s28+$0xFFFFFF80 ss:$0x1], $0xffff;
	(xrf2) =	vadd.scan.msk.f32 $0xffff, v3  }
0x76: {  	s7 =	smin.u32 s29, $0x26E0;
	s9 =	simm.s32 $0x0;
	s10 =	sadd.s32 $0x100, s28;
	v9 =	vld.idx.msk [tilespmem:v0+s11+$0x70 ss:$0x1], $0xffff  }
0x77: {  	s8 =	simm.s32 $0xFFFFFFFE;
	s6 =	sadd.s32 $0x9400, s7;
	s24 =	smov.u32 s11;
	v11 =	vmul.f32 v62, v61;
	v2 =	vmul.f32 v19, v18;
	v3 =	vadd.f32 v63, v10;
	v10 =	vld.idx.msk [tilespmem:v0+s28+$0xFFFFFF10 ss:$0x1], $0xffff  }
.LBB2_3:
0x78: {  	v12 =	vld.idx.msk [tilespmem:v0+s10+$0xFFFFFF90 ss:$0x1], $0xffff;
	v4 =	vmul.f32 v7, v4;
	s24 =	sadd.s32 $0x100, s24  }
0x79: {  	s12 =	sadd.s32 s8, s7;
	s8 =	smov.u32 s9;
	v7 =	vld.idx.msk [tilespmem:v0+s24+$0x80 ss:$0x1], $0xffff  }
0x7a: {  	v5 =	vmul.f32 v8, v5;
	s13 =	sadd.s32 $0x2, s12;
	s12 =	sadd.s32 $0x3, s12;
	v13 =	vld.idx.msk [tilespmem:v0+s10+$0xFFFFFFA0 ss:$0x1], $0xffff;
	v4 =	vadd.f32 v4, v11  }
0x7b: {  	v11 =	vmov s13;
	v14 =	vmov s12;
	v8 =	vld.idx.msk [tilespmem:v0+s24+$0x90 ss:$0x1], $0xffff  }
0x7c: {  	v6 =	vmul.f32 v9, v6;
	v9 =	vand.u32 $0xFFFFFFFE, v11;
	v15 =	vld.idx.msk [tilespmem:v0+s10+$0xFFFFFFB0 ss:$0x1], $0xffff  }
0x7d: {  	v1 =	vmul.f32 v1, v10;
	v9 =	vbroadcast v9, $0x0;
	v11 =	vld.idx.msk [tilespmem:v0+s24+$0xA0 ss:$0x1], $0xffff  }
0x7e: {  	v5 =	vadd.f32 v6, v5;
	v10 =	vld.idx.msk [tilespmem:v0+s10+$0xFFFFFFC0 ss:$0x1], $0xffff  }
0x7f: {  	v1 =	vadd.f32 v2, v1;
	v6 =	vld.idx.msk [tilespmem:v0+s24+$0xB0 ss:$0x1], $0xffff;
	v2, _, _ =	vpop (xrf2)  }
0x80: {  	v4 =	vadd.f32 v5, v4;
	v16 =	vld.idx.msk [tilespmem:v0+s10+$0xFFFFFFD0 ss:$0x1], $0xffff;
	[tilespmem:v14+s0+$0x0] =	vst.idx.msk vm0, v2  }
0x81: {  	v1 =	vadd.f32 v3, v1;
	v2 =	vld.idx.msk [tilespmem:v0+s24+$0xC0 ss:$0x1], $0xffff  }
0x82: {  	v3 =	vld.idx.msk [tilespmem:v0+s10+$0xFFFFFFE0 ss:$0x1], $0xffff  }
0x83: {  	v1 =	vadd.f32 v4, v1;
	v5 =	vld.idx.msk [tilespmem:v0+s24+$0xD0 ss:$0x1], $0xffff  }
0x84: {  	v4 =	vld.idx.msk [tilespmem:v0+s10+$0xFFFFFFF0 ss:$0x1], $0xffff  }
0x85: {  	v14 =	vld.idx.msk [tilespmem:v0+s24+$0xE0 ss:$0x1], $0xffff;
	(xrf2) =	vadd.scan.msk.f32 $0xffff, v1  }
0x86: {  	v17 =	vld.idx.msk [tilespmem:v0+s10+$0x0 ss:$0x1], $0xffff  }
0x87: {  	s9 =	sadd.s32 $0x2, s9;
	v18 =	vld.idx.msk [tilespmem:v0+s24+$0xF0 ss:$0x1], $0xffff  }
0x88: {  	p1 =	slt.u32 s9, $0x2E;
	v1 =	vld.idx.msk [tilespmem:v0+s24+$0x0 ss:$0x1], $0xffff  }
0x89: {  	v19 =	vld.idx.msk [tilespmem:v0+s10+$0xFFFFFF20 ss:$0x1], $0xffff  }
0x8a: {  	v7 =	vmul.f32 v7, v12;
	v8 =	vmul.f32 v8, v13;
	v20 =	vld.idx.msk [tilespmem:v0+s24+$0x10 ss:$0x1], $0xffff  }
0x8b: {  	v11 =	vmul.f32 v11, v15;
	v6 =	vmul.f32 v6, v10;
	v12 =	vld.idx.msk [tilespmem:v0+s10+$0xFFFFFF30 ss:$0x1], $0xffff  }
0x8c: {  	v2 =	vmul.f32 v2, v16;
	v3 =	vmul.f32 v5, v3;
	v10 =	vld.idx.msk [tilespmem:v0+s24+$0x20 ss:$0x1], $0xffff  }
0x8d: {  	v15 =	vmul.f32 v14, v4;
	v5 =	vmul.f32 v18, v17;
	v13 =	vld.idx.msk [tilespmem:v0+s10+$0xFFFFFF40 ss:$0x1], $0xffff  }
0x8e: {  	v7 =	vadd.f32 v8, v7;
	v6 =	vadd.f32 v6, v11;
	v14 =	vld.idx.msk [tilespmem:v0+s24+$0x30 ss:$0x1], $0xffff  }
0x8f: {  	v3 =	vadd.f32 v3, v2;
	v5 =	vadd.f32 v5, v15;
	v11 =	vld.idx.msk [tilespmem:v0+s10+$0xFFFFFF50 ss:$0x1], $0xffff;
	v4, _, _ =	vpop (xrf2)  }
0x90: {  	v2 =	vmul.f32 v20, v19;
	v15 =	vld.idx.msk [tilespmem:v0+s24+$0x40 ss:$0x1], $0xffff;
	[tilespmem:v9+s0+$0x0] =	vst.idx.msk vm0, v4  }
0x91: {  	v6 =	vadd.f32 v6, v7;
	v3 =	vadd.f32 v5, v3;
	v4 =	vld.idx.msk [tilespmem:v0+s10+$0xFFFFFF60 ss:$0x1], $0xffff  }
0x92: {  	v10 =	vmul.f32 v10, v12;
	v7 =	vld.idx.msk [tilespmem:v0+s24+$0x50 ss:$0x1], $0xffff  }
.Ltmp0:
0x93: {  	v3 =	vadd.f32 v3, v6;
	v5 =	vld.idx.msk [tilespmem:v0+s10+$0xFFFFFF70 ss:$0x1], $0xffff;
	(pc) =	sbr.rel @p1 .LBB2_3-.Ltmp0, $4  }
0x94: {  	v12 =	vmul.f32 v14, v13;
	v8 =	vld.idx.msk [tilespmem:v0+s24+$0x60 ss:$0x1], $0xffff  }
0x95: {  	v6 =	vld.idx.msk [tilespmem:v0+s10+$0xFFFFFF80 ss:$0x1], $0xffff;
	(xrf2) =	vadd.scan.msk.f32 $0xffff, v3  }
0x96: {  	v11 =	vmul.f32 v15, v11;
	v3 =	vadd.f32 v12, v10;
	v9 =	vld.idx.msk [tilespmem:v0+s24+$0x70 ss:$0x1], $0xffff  }
0x97: {  	v10 =	vld.idx.msk [tilespmem:v0+s10+$0xFFFFFF10 ss:$0x1], $0xffff;
	s10 =	sadd.s32 $0x100, s10  }
0x98: {  	_ =	sdelay $0x2  }
0x99: {  	v0 =	vmul.f32 v7, v4;
	v58 =	vmul.f32 v8, v5  }
0x9a: {  	v59 =	vmul.f32 v9, v6;
	v1 =	vmul.f32 v1, v10  }
0x9b: {  	v0 =	vadd.f32 v0, v11  }
0x9c: {  	v4 =	vadd.f32 v59, v58;
	v1 =	vadd.f32 v2, v1;
	_ =	sdelay $0x1  }
0x9d: {  	v0 =	vadd.f32 v4, v0;
	v1 =	vadd.f32 v3, v1;
	_ =	sdelay $0x1  }
0x9e: {  	v0 =	vadd.f32 v0, v1;
	_ =	sdelay $0x1  }
0x9f: {  	(xrf2) =	vadd.scan.msk.f32 $0xffff, v0  }
0xa0: {  	s7 =	sadd.s32 s8, s7  }
0xa1: {  	s8 =	sadd.s32 $0x2, s7  }
0xa2: {  	v60 =	vmov s8  }
0xa3: {  	s7 =	sadd.s32 $0x3, s7;
	v0 =	vand.u32 $0xFFFFFFFE, v60  }
0xa4: {  	v61 =	vmov s7;
	v0 =	vbroadcast v0, $0x0;
	_ =	sdelay $0x3  }
0xa5: {  	v62, _, _ =	vpop (xrf2)  }
0xa6: {  	[tilespmem:v61+s0+$0x0] =	vst.idx.msk vm0, v62;
	v63, _, _ =	vpop (xrf2)  }
0xa7: {  	s8 =	simm.s32 $0x0;
	s7 =	simm.s32 $0x40;
	[tilespmem:v0+s0+$0x0] =	vst.idx.msk vm0, v63  }
.LBB2_5:
0xa8: {  	p1 =	sne.s32 s7, $0x80;
	s9 =	sadd.s32 s8, s6  }
0xa9: {  	v0 =	vld [tilespmem:s9+$0x0];
	_ =	sdelay $0x4  }
0xaa: {  	v0 =	vsub.f32 $0.0e+00, v0;
	_ =	sdelay $0x1  }
0xab: {  	v0 =	vmul.f32 $1.442695020e+00, v0;
	_ =	sdelay $0x1  }
0xac: {  	(erf) = vpow2.f32 v0;
	_ =	sdelay $0x8  }
0xad: {  	v0 =	vpop (erf)  }
0xae: {  	v0 =	vadd.f32 $1.000000000e+00, v0;
	_ =	sdelay $0x1  }
0xaf: {  	(erf) = vrcp.f32 v0;
	_ =	sdelay $0x5  }
.Ltmp1:
0xb0: {  	(pc) =	sbr.rel @p1 .LBB2_5-.Ltmp1, $3  }
0xb1: {  	_ =	sdelay $0x1  }
0xb2: {  	v0 =	vpop (erf)  }
0xb3: {  	s8 =	sshra.s32 s7, $0x2;
	s7 =	sadd.s32 $0x40, s7;
	[tilespmem:s9+$0x0] =	vst v0  }
0xb4: {  	s6 =	sadd.s32 s8, s6  }
0xb5: {  	v0 =	vld [tilespmem:s6+$0x0];
	_ =	sdelay $0x4  }
0xb6: {  	v0 =	vsub.f32 $0.0e+00, v0;
	_ =	sdelay $0x1  }
0xb7: {  	v0 =	vmul.f32 $1.442695020e+00, v0;
	_ =	sdelay $0x1  }
0xb8: {  	(erf) = vpow2.f32 v0;
	_ =	sdelay $0x8  }
0xb9: {  	v0 =	vpop (erf)  }
0xba: {  	v0 =	vadd.f32 $1.000000000e+00, v0;
	_ =	sdelay $0x1  }
0xbb: {  	(erf) = vrcp.f32 v0;
	_ =	sdelay $0x3  }
0xbc: {  	s30 =	sadd.s32 $0x1, s30  }
0xbd: {  	p1 =	sne.s32 s30, $0xD1  }
.Ltmp2:
0xbe: {  	_ = 	snop;
	(pc) =	sbr.rel @p1 .LBB2_2-.Ltmp2, $3  }
0xbf: {  	_ =	sdelay $0x1  }
0xc0: {  	v0 =	vpop (erf)  }
0xc1: {  	s11 =	sadd.s32 $0x1800, s11;
	s28 =	sadd.s32 $0x1800, s28;
	s29 =	sadd.s32 $0x30, s29;
	[tilespmem:s6+$0x0] =	vst v0  }
0xc2: {  	_ =	swait.ge [sflag:s31], $0x1800  }
0xc3: {  	[sflag:s31] =	ssyncset.done $0x0  }
0xc4: {  	[sflag:s31] =	ssyncadd.s32 $0xFFFFE800  }
0xc5: {  	_ =	swait.ge [sflag:s31], $0x1800  }
0xc6: {  	[sflag:s31] =	ssyncset.done $0x0  }
0xc7: {  	[sflag:s31] =	ssyncadd.s32 $0xFFFFE800  }
0xc8: {  	_ =	swait.ge [sflag:s31], $0x1800  }
0xc9: {  	[sflag:s31] =	ssyncset.done $0x0  }
0xca: {  	[sflag:s31] =	ssyncadd.s32 $0xFFFFE800  }
0xcb: {  	_ =	swait.ge [sflag:s31], $0x1800  }
0xcc: {  	[sflag:s31] =	ssyncset.done $0x0  }
0xcd: {  	[sflag:s31] =	ssyncadd.s32 $0xFFFFE800  }
0xce: {  	_ =	swait.ge [sflag:s25], $0x30  }
0xcf: {  	[sflag:s25] =	ssyncset.done $0x0  }
0xd0: {  	[sflag:s25] =	ssyncadd.s32 $0xFFFFFFD0  }
0xd1: {  	s23 =	sadd.s32 $0x1, s23;
	_ =	swait.ge [sflag:s25], $0x30  }
0xd2: {  	p1 =	sne.s32 s23, s16;
	[sflag:s25] =	ssyncset.done $0x0  }
.Ltmp3:
0xd3: {  	[sflag:s25] =	ssyncadd.s32 $0xFFFFFFD0;
	(pc) =	sbr.rel @p1 .LBB2_1-.Ltmp3, $4  }
0xd4: {  	[hbm4b:s15+s3] =	stream.linear.scatter [tilespmem:s0], [sflag:$0x3], $0x2710, $0x38;
	[tilespmem:$0x1F400] =	vst v63  }
0xd5: {  	_ =	swait.ge [sflag:s4], $0x2710  }
0xd6: {  	[sflag:s4] =	ssyncset.done $0x0  }
0xd7: {  	[sflag:s4] =	ssyncadd.s32 $0xFFFFD8F0  }
0xd8: {  	_ =	sfence.sel $0x180000  }
0xd9: {  	[bflag:$0x0] =	sbarrier.arrive $0xFFFF  }
0xda: {  	_ =	strace $0x90000047  }
0xdb: {  	s0 =	stileid.u32;
	[bflag:$0x2] =	sbarrier.arrive $0xFFFF  }
0xdc: {  	p0 =	sne.s32 s0, $0x0;
	s0 =	rddreg [dreg:$0x4]  }
0xdd: {  	s0 =	sadd.s32 @!p0 $0x100000, s0  }
0xde: {  	[sflag:s0] =	ssyncadd.tile.s32 @!p0 $0x1;
	_ =	shalt  }
.Lfunc_end2:
_tile_overlayer_lowered:
.L_overlay_start_2:
0xdf: {  	(tag) =	ssettag $0x2  }
0xe0: {  	s0 =	rddreg [dreg:$0x0];
	s2 =	stileid.u32  }
0xe1: {  	s1 =	rddreg [dreg:$0x1];
	p0 =	sne.s32 s2, $0x0  }
0xe2: {  	s3 =	rddreg [dreg:$0x2];
	[bflag:$0x3] =	sbarrier.arrive $0xFFFF;
	s2 =	simm.s32 @!p0 $0x1C03  }
0xe3: {  	[timem:s3], [sflag:s2] =	dma.local @!p0 [hbm:s0], s1  }
0xe4: {  	s0 =	simm.s32 @!p0 $0x3  }
0xe5: {  	_ =	swait.ge @!p0 [sflag:s0], s1  }
0xe6: {  	s1 =	ssub.s32 @!p0 $0x0, s1;
	[sflag:s0] =	ssyncset.done @!p0 $0x0  }
0xe7: {  	[sflag:s0] =	ssyncadd.s32 @!p0 s1  }
0xe8: {  	[bflag:$0x3] =	sbarrier.arrive $0xFFFF  }
0xe9: {  	_ =	shalt  }

</sc_bundles>
